<compile_context>
chip_gen: v7x
topology: tpu7x:2x2x1
jax: 0.10.2.dev20260603
libtpu: 0.0.44.dev20260713+nightly
codegen_flags: <defaults>
</compile_context>

<pallas_src>
import functools

import numpy as np
import jax
import jax.numpy as jnp
from jax import lax
from jax.experimental import pallas as pl
from jax.experimental.pallas import tpu as pltpu
from jax.experimental.pallas import tpu_sc as plsc

_B, _L, _D = 4, 4096, 1024
_NC, _NS = 2, 16
_NW = _NC * _NS
_ROWS = _B * _L
_RPW = _ROWS // _NW
_CHUNK = 16
_NCHUNK = _RPW // _CHUNK
_NBUF = 6
_AHEAD = 4
_DIST = _NBUF - _AHEAD
_PEEL = 2


def _flat_inverse_perm_indices() -> np.ndarray:
    mseq = np.arange(_L)
    idx = np.zeros((_B, _L), dtype=np.int64)
    for i in range(_B):
        np.random.seed(i)
        mshuf = np.random.permutation(mseq)
        idx[i] = np.argsort(mshuf)
    flat = idx + (np.arange(_B)[:, None] * _L)
    return flat.reshape(_NW, _NCHUNK, _CHUNK).astype(np.int32)


_FLAT_IDX = _flat_inverse_perm_indices()


@functools.cache
def _build_deinterleave():
    mesh = plsc.VectorSubcoreMesh(core_axis_name="c", subcore_axis_name="s")
    return functools.partial(
        pl.kernel,
        mesh=mesh,
        out_type=jax.ShapeDtypeStruct((_ROWS, _D), jnp.float32),
        scratch_types=[
            pltpu.VMEM((_NCHUNK, _CHUNK), jnp.int32),
            pltpu.VMEM((_NBUF, _CHUNK, _D), jnp.float32),
        ]
        + [pltpu.SemaphoreType.DMA] * (2 * _NBUF),
    )(_deinterleave_body)


def _deinterleave_body(x_hbm, idx_hbm, out_hbm, idx_v, rows_v, *sems):
    sg, sw = sems[:_NBUF], sems[_NBUF:]
    wid = lax.axis_index("s") * _NC + lax.axis_index("c")
    base = wid * _RPW
    pltpu.sync_copy(idx_hbm.at[wid], idx_v)

    def gather(j, buf):
        return pltpu.make_async_copy(x_hbm.at[idx_v.at[j]], rows_v.at[buf],
                                     sg[buf])

    def write(j, buf):
        return pltpu.make_async_copy(
            rows_v.at[buf], out_hbm.at[pl.ds(base + j * _CHUNK, _CHUNK)],
            sw[buf])

    for k in range(_AHEAD):
        gather(k, k % _NBUF).start()
    for j in range(_PEEL):
        if j >= _NBUF - _AHEAD:
            write(j - (_NBUF - _AHEAD), (j - (_NBUF - _AHEAD)) % _NBUF).wait()
        gather(j + _AHEAD, (j + _AHEAD) % _NBUF).start()
        gather(j, j % _NBUF).wait()
        write(j, j % _NBUF).start()

    @pl.loop(_PEEL, _NCHUNK, step=_NBUF)
    def _steady(j0):
        for b in range(_NBUF):
            j = j0 + b
            sj = (_PEEL + b) % _NBUF
            sn = (_PEEL + b - _DIST) % _NBUF

            @pl.when(j + _AHEAD < _NCHUNK)
            def _():
                write(j - _DIST, sn).wait()
                gather(j + _AHEAD, sn).start()

            gather(j, sj).wait()
            write(j, sj).start()

    for j in range(_NCHUNK - _AHEAD - _DIST, _NCHUNK):
        write(j, j % _NBUF).wait()


def kernel(x):
    x2 = x.reshape(_ROWS, _D)
    idx = jnp.asarray(_FLAT_IDX)
    y = _build_deinterleave()(x2, idx)
    return y.reshape(_B, _L, _D)

# --- scband reference (transcript-rebuilt; emitter-appended) ---
"""Pipeline reference for scband-pseudo-random-de-interleaver-3667902070960 (READ-ONLY COPY).

The authoritative reference and input builder live on the scoring server;
editing this copy changes nothing except your own understanding.
"""

import jax, jax.numpy as jnp
import numpy as np

B, L, D = 4, 4096, 1024

def _inv_perms():
    # Faithful reproduction of the TF layer: per-batch-item numpy seed i,
    # permutation of arange(L), then argsort to get the de-interleave indices.
    mseq = np.arange(L)
    idx = np.zeros((B, L), dtype=np.int64)
    for i in range(B):
        np.random.seed(i)
        mshuf = np.random.permutation(mseq)
        idx[i] = np.argsort(mshuf)
    return jnp.asarray(idx)


def setup_inputs(seed: int = 0) -> dict:
    key = jax.random.key(seed)
    x = jax.random.normal(key, (B, L, D), dtype=jnp.float32)
    return {"x": x}


def reference(x):
    idx = _inv_perms()  # [B, L] inverse permutations (constants)
    # Per-sample gather along the sequence axis, same as tf.gather per slice.
    y = jnp.take_along_axis(x, idx[:, :, None], axis=1)
    return y

if __name__ == "__main__":
    import jax
    _d = setup_inputs()
    print(jax.jit(kernel)(*tuple(_d.values())))

</pallas_src>

<mosaic_0001>
#map = affine_map<(d0, d1) -> (0, 0)>
#map1 = affine_map<(d0, d1) -> (0, 0, 0)>
module attributes {stable_mosaic.version = 14 : i64} {
  func.func @_deinterleave_body(%arg0: i32, %arg1: i32, %arg2: memref<16384x1024xf32, #tpu.memory_space<hbm>>, %arg3: memref<32x32x16xi32, #tpu.memory_space<hbm>>, %arg4: memref<16384x1024xf32, #tpu.memory_space<hbm>>, %arg5: memref<32x16xi32, #tpu.memory_space<vmem>>, %arg6: memref<6x16x1024xf32, #tpu.memory_space<vmem>>, %arg7: memref<!tpu.dma_semaphore, #tpu.memory_space<semaphore_mem>>, %arg8: memref<!tpu.dma_semaphore, #tpu.memory_space<semaphore_mem>>, %arg9: memref<!tpu.dma_semaphore, #tpu.memory_space<semaphore_mem>>, %arg10: memref<!tpu.dma_semaphore, #tpu.memory_space<semaphore_mem>>, %arg11: memref<!tpu.dma_semaphore, #tpu.memory_space<semaphore_mem>>, %arg12: memref<!tpu.dma_semaphore, #tpu.memory_space<semaphore_mem>>, %arg13: memref<!tpu.dma_semaphore, #tpu.memory_space<semaphore_mem>>, %arg14: memref<!tpu.dma_semaphore, #tpu.memory_space<semaphore_mem>>, %arg15: memref<!tpu.dma_semaphore, #tpu.memory_space<semaphore_mem>>, %arg16: memref<!tpu.dma_semaphore, #tpu.memory_space<semaphore_mem>>, %arg17: memref<!tpu.dma_semaphore, #tpu.memory_space<semaphore_mem>>, %arg18: memref<!tpu.dma_semaphore, #tpu.memory_space<semaphore_mem>>) attributes {dimension_semantics = [#tpu.dimension_semantics<core_parallel>, #tpu.dimension_semantics<subcore_parallel>], iteration_bounds = array<i64: 2, 16>, scalar_prefetch = 0 : i64, scratch_operands = 14 : i64, tpu.core_type = #tpu.core_type<sc_vector_subcore>, window_params = [{transform_indices = #map}, {transform_indices = #map1}, {transform_indices = #map}]} {
    %mul3A = arith.constant 2 : i32
    %mul3A_0 = arith.muli %arg1, %mul3A : i32
    %add3A = arith.addi %mul3A_0, %arg0 : i32
    %mul3A_1 = arith.constant 512 : i32
    %mul3A_2 = arith.muli %add3A, %mul3A_1 : i32
    "tpu.region"() ({
      %run_scoped3A = tpu.sem_alloc : memref<!tpu.dma_semaphore, #tpu.memory_space<semaphore_mem>>
      %dma_start3A_221 = arith.constant 0 : i32
      %dma_start3A_222 = arith.constant 0 : i32
      %dma_start3A_223 = tpu.memref_slice %arg3[%add3A, %dma_start3A_221, %dma_start3A_222] : memref<32x32x16xi32, #tpu.memory_space<hbm>> -> memref<1x32x16xi32, #tpu.memory_space<hbm>>
      %dma_start3A_224 = tpu.memref_squeeze %dma_start3A_223 : memref<1x32x16xi32, #tpu.memory_space<hbm>> -> memref<32x16xi32, #tpu.memory_space<hbm>>
      %dma_start3A_225 = arith.constant 0 : i32
      %dma_start3A_226 = arith.constant 0 : i32
      %dma_start3A_227 = tpu.memref_slice %arg3[%add3A, %dma_start3A_225, %dma_start3A_226] : memref<32x32x16xi32, #tpu.memory_space<hbm>> -> memref<1x32x16xi32, #tpu.memory_space<hbm>>
      %dma_start3A_228 = tpu.memref_squeeze %dma_start3A_227 : memref<1x32x16xi32, #tpu.memory_space<hbm>> -> memref<32x16xi32, #tpu.memory_space<hbm>>
      tpu.enqueue_dma source(%dma_start3A_228 : memref<32x16xi32, #tpu.memory_space<hbm>>) target(%arg5 : memref<32x16xi32, #tpu.memory_space<vmem>>) target_semaphore(%run_scoped3A : memref<!tpu.dma_semaphore, #tpu.memory_space<semaphore_mem>>)
      %dma_wait3A_229 = arith.constant 0 : i32
      %dma_wait3A_230 = arith.constant 0 : i32
      %dma_wait3A_231 = tpu.memref_slice %arg3[%add3A, %dma_wait3A_229, %dma_wait3A_230] : memref<32x32x16xi32, #tpu.memory_space<hbm>> -> memref<1x32x16xi32, #tpu.memory_space<hbm>>
      %dma_wait3A_232 = tpu.memref_squeeze %dma_wait3A_231 : memref<1x32x16xi32, #tpu.memory_space<hbm>> -> memref<32x16xi32, #tpu.memory_space<hbm>>
      %dma_wait3A_233 = arith.constant 0 : i32
      %dma_wait3A_234 = arith.constant 0 : i32
      %dma_wait3A_235 = tpu.memref_slice %arg3[%add3A, %dma_wait3A_233, %dma_wait3A_234] : memref<32x32x16xi32, #tpu.memory_space<hbm>> -> memref<1x32x16xi32, #tpu.memory_space<hbm>>
      %dma_wait3A_236 = tpu.memref_squeeze %dma_wait3A_235 : memref<1x32x16xi32, #tpu.memory_space<hbm>> -> memref<32x16xi32, #tpu.memory_space<hbm>>
      tpu.wait_dma2 semaphore(%run_scoped3A : memref<!tpu.dma_semaphore, #tpu.memory_space<semaphore_mem>>) src(%dma_wait3A_236 : memref<32x16xi32, #tpu.memory_space<hbm>>) dst(%arg5 : memref<32x16xi32, #tpu.memory_space<vmem>>)
      tpu.yield
    }) : () -> ()
    %dma_start3A = arith.constant 0 : i32
    %dma_start3A_3 = arith.constant 0 : i32
    %dma_start3A_4 = arith.constant 0 : i32
    %dma_start3A_5 = arith.constant 0 : i32
    %dma_start3A_6 = tpu.memref_slice %arg6[%dma_start3A_3, %dma_start3A_4, %dma_start3A_5] : memref<6x16x1024xf32, #tpu.memory_space<vmem>> -> memref<1x16x1024xf32, #tpu.memory_space<vmem>>
    %dma_start3A_7 = tpu.memref_squeeze %dma_start3A_6 : memref<1x16x1024xf32, #tpu.memory_space<vmem>> -> memref<16x1024xf32, #tpu.memory_space<vmem>>
    %dma_start3A_8 = arith.constant 0 : i32
    %dma_start3A_9 = tpu.memref_slice %arg5[%dma_start3A, %dma_start3A_8] : memref<32x16xi32, #tpu.memory_space<vmem>> -> memref<1x16xi32, #tpu.memory_space<vmem>>
    %dma_start3A_10 = tpu.memref_squeeze %dma_start3A_9 : memref<1x16xi32, #tpu.memory_space<vmem>> -> memref<16xi32, #tpu.memory_space<vmem>>
    %dma_start3A_11 = arith.constant 0 : i32
    %dma_start3A_12 = arith.constant 0 : i32
    %dma_start3A_13 = tpu.memref_slice %arg2[%dma_start3A_11, %dma_start3A_12] : memref<16384x1024xf32, #tpu.memory_space<hbm>> -> memref<16384x1024xf32, #tpu.memory_space<hbm>>
    tpu.enqueue_indirect_dma source(%dma_start3A_13 : memref<16384x1024xf32, #tpu.memory_space<hbm>>) target(%dma_start3A_7 : memref<16x1024xf32, #tpu.memory_space<vmem>>) offsets(%dma_start3A_10 : memref<16xi32, #tpu.memory_space<vmem>>) semaphore(%arg7 : memref<!tpu.dma_semaphore, #tpu.memory_space<semaphore_mem>>)
    %dma_start3A_14 = arith.constant 1 : i32
    %dma_start3A_15 = arith.constant 1 : i32
    %dma_start3A_16 = arith.constant 0 : i32
    %dma_start3A_17 = arith.constant 0 : i32
    %dma_start3A_18 = tpu.memref_slice %arg6[%dma_start3A_15, %dma_start3A_16, %dma_start3A_17] : memref<6x16x1024xf32, #tpu.memory_space<vmem>> -> memref<1x16x1024xf32, #tpu.memory_space<vmem>>
    %dma_start3A_19 = tpu.memref_squeeze %dma_start3A_18 : memref<1x16x1024xf32, #tpu.memory_space<vmem>> -> memref<16x1024xf32, #tpu.memory_space<vmem>>
    %dma_start3A_20 = arith.constant 0 : i32
    %dma_start3A_21 = tpu.memref_slice %arg5[%dma_start3A_14, %dma_start3A_20] : memref<32x16xi32, #tpu.memory_space<vmem>> -> memref<1x16xi32, #tpu.memory_space<vmem>>
    %dma_start3A_22 = tpu.memref_squeeze %dma_start3A_21 : memref<1x16xi32, #tpu.memory_space<vmem>> -> memref<16xi32, #tpu.memory_space<vmem>>
    %dma_start3A_23 = arith.constant 0 : i32
    %dma_start3A_24 = arith.constant 0 : i32
    %dma_start3A_25 = tpu.memref_slice %arg2[%dma_start3A_23, %dma_start3A_24] : memref<16384x1024xf32, #tpu.memory_space<hbm>> -> memref<16384x1024xf32, #tpu.memory_space<hbm>>
    tpu.enqueue_indirect_dma source(%dma_start3A_25 : memref<16384x1024xf32, #tpu.memory_space<hbm>>) target(%dma_start3A_19 : memref<16x1024xf32, #tpu.memory_space<vmem>>) offsets(%dma_start3A_22 : memref<16xi32, #tpu.memory_space<vmem>>) semaphore(%arg8 : memref<!tpu.dma_semaphore, #tpu.memory_space<semaphore_mem>>)
    %dma_start3A_26 = arith.constant 2 : i32
    %dma_start3A_27 = arith.constant 2 : i32
    %dma_start3A_28 = arith.constant 0 : i32
    %dma_start3A_29 = arith.constant 0 : i32
    %dma_start3A_30 = tpu.memref_slice %arg6[%dma_start3A_27, %dma_start3A_28, %dma_start3A_29] : memref<6x16x1024xf32, #tpu.memory_space<vmem>> -> memref<1x16x1024xf32, #tpu.memory_space<vmem>>
    %dma_start3A_31 = tpu.memref_squeeze %dma_start3A_30 : memref<1x16x1024xf32, #tpu.memory_space<vmem>> -> memref<16x1024xf32, #tpu.memory_space<vmem>>
    %dma_start3A_32 = arith.constant 0 : i32
    %dma_start3A_33 = tpu.memref_slice %arg5[%dma_start3A_26, %dma_start3A_32] : memref<32x16xi32, #tpu.memory_space<vmem>> -> memref<1x16xi32, #tpu.memory_space<vmem>>
    %dma_start3A_34 = tpu.memref_squeeze %dma_start3A_33 : memref<1x16xi32, #tpu.memory_space<vmem>> -> memref<16xi32, #tpu.memory_space<vmem>>
    %dma_start3A_35 = arith.constant 0 : i32
    %dma_start3A_36 = arith.constant 0 : i32
    %dma_start3A_37 = tpu.memref_slice %arg2[%dma_start3A_35, %dma_start3A_36] : memref<16384x1024xf32, #tpu.memory_space<hbm>> -> memref<16384x1024xf32, #tpu.memory_space<hbm>>
    tpu.enqueue_indirect_dma source(%dma_start3A_37 : memref<16384x1024xf32, #tpu.memory_space<hbm>>) target(%dma_start3A_31 : memref<16x1024xf32, #tpu.memory_space<vmem>>) offsets(%dma_start3A_34 : memref<16xi32, #tpu.memory_space<vmem>>) semaphore(%arg9 : memref<!tpu.dma_semaphore, #tpu.memory_space<semaphore_mem>>)
    %dma_start3A_38 = arith.constant 3 : i32
    %dma_start3A_39 = arith.constant 3 : i32
    %dma_start3A_40 = arith.constant 0 : i32
    %dma_start3A_41 = arith.constant 0 : i32
    %dma_start3A_42 = tpu.memref_slice %arg6[%dma_start3A_39, %dma_start3A_40, %dma_start3A_41] : memref<6x16x1024xf32, #tpu.memory_space<vmem>> -> memref<1x16x1024xf32, #tpu.memory_space<vmem>>
    %dma_start3A_43 = tpu.memref_squeeze %dma_start3A_42 : memref<1x16x1024xf32, #tpu.memory_space<vmem>> -> memref<16x1024xf32, #tpu.memory_space<vmem>>
    %dma_start3A_44 = arith.constant 0 : i32
    %dma_start3A_45 = tpu.memref_slice %arg5[%dma_start3A_38, %dma_start3A_44] : memref<32x16xi32, #tpu.memory_space<vmem>> -> memref<1x16xi32, #tpu.memory_space<vmem>>
    %dma_start3A_46 = tpu.memref_squeeze %dma_start3A_45 : memref<1x16xi32, #tpu.memory_space<vmem>> -> memref<16xi32, #tpu.memory_space<vmem>>
    %dma_start3A_47 = arith.constant 0 : i32
    %dma_start3A_48 = arith.constant 0 : i32
    %dma_start3A_49 = tpu.memref_slice %arg2[%dma_start3A_47, %dma_start3A_48] : memref<16384x1024xf32, #tpu.memory_space<hbm>> -> memref<16384x1024xf32, #tpu.memory_space<hbm>>
    tpu.enqueue_indirect_dma source(%dma_start3A_49 : memref<16384x1024xf32, #tpu.memory_space<hbm>>) target(%dma_start3A_43 : memref<16x1024xf32, #tpu.memory_space<vmem>>) offsets(%dma_start3A_46 : memref<16xi32, #tpu.memory_space<vmem>>) semaphore(%arg10 : memref<!tpu.dma_semaphore, #tpu.memory_space<semaphore_mem>>)
    %dma_start3A_50 = arith.constant 4 : i32
    %dma_start3A_51 = arith.constant 4 : i32
    %dma_start3A_52 = arith.constant 0 : i32
    %dma_start3A_53 = arith.constant 0 : i32
    %dma_start3A_54 = tpu.memref_slice %arg6[%dma_start3A_51, %dma_start3A_52, %dma_start3A_53] : memref<6x16x1024xf32, #tpu.memory_space<vmem>> -> memref<1x16x1024xf32, #tpu.memory_space<vmem>>
    %dma_start3A_55 = tpu.memref_squeeze %dma_start3A_54 : memref<1x16x1024xf32, #tpu.memory_space<vmem>> -> memref<16x1024xf32, #tpu.memory_space<vmem>>
    %dma_start3A_56 = arith.constant 0 : i32
    %dma_start3A_57 = tpu.memref_slice %arg5[%dma_start3A_50, %dma_start3A_56] : memref<32x16xi32, #tpu.memory_space<vmem>> -> memref<1x16xi32, #tpu.memory_space<vmem>>
    %dma_start3A_58 = tpu.memref_squeeze %dma_start3A_57 : memref<1x16xi32, #tpu.memory_space<vmem>> -> memref<16xi32, #tpu.memory_space<vmem>>
    %dma_start3A_59 = arith.constant 0 : i32
    %dma_start3A_60 = arith.constant 0 : i32
    %dma_start3A_61 = tpu.memref_slice %arg2[%dma_start3A_59, %dma_start3A_60] : memref<16384x1024xf32, #tpu.memory_space<hbm>> -> memref<16384x1024xf32, #tpu.memory_space<hbm>>
    tpu.enqueue_indirect_dma source(%dma_start3A_61 : memref<16384x1024xf32, #tpu.memory_space<hbm>>) target(%dma_start3A_55 : memref<16x1024xf32, #tpu.memory_space<vmem>>) offsets(%dma_start3A_58 : memref<16xi32, #tpu.memory_space<vmem>>) semaphore(%arg11 : memref<!tpu.dma_semaphore, #tpu.memory_space<semaphore_mem>>)
    %dma_wait3A = arith.constant 0 : i32
    %dma_wait3A_62 = arith.constant 0 : i32
    %dma_wait3A_63 = arith.constant 0 : i32
    %dma_wait3A_64 = arith.constant 0 : i32
    %dma_wait3A_65 = tpu.memref_slice %arg6[%dma_wait3A_62, %dma_wait3A_63, %dma_wait3A_64] : memref<6x16x1024xf32, #tpu.memory_space<vmem>> -> memref<1x16x1024xf32, #tpu.memory_space<vmem>>
    %dma_wait3A_66 = tpu.memref_squeeze %dma_wait3A_65 : memref<1x16x1024xf32, #tpu.memory_space<vmem>> -> memref<16x1024xf32, #tpu.memory_space<vmem>>
    %dma_wait3A_67 = arith.constant 0 : i32
    %dma_wait3A_68 = tpu.memref_slice %arg5[%dma_wait3A, %dma_wait3A_67] : memref<32x16xi32, #tpu.memory_space<vmem>> -> memref<1x16xi32, #tpu.memory_space<vmem>>
    %dma_wait3A_69 = tpu.memref_squeeze %dma_wait3A_68 : memref<1x16xi32, #tpu.memory_space<vmem>> -> memref<16xi32, #tpu.memory_space<vmem>>
    %dma_wait3A_70 = arith.constant 0 : i32
    %dma_wait3A_71 = arith.constant 0 : i32
    %dma_wait3A_72 = tpu.memref_slice %arg2[%dma_wait3A_70, %dma_wait3A_71] : memref<16384x1024xf32, #tpu.memory_space<hbm>> -> memref<16384x1024xf32, #tpu.memory_space<hbm>>
    tpu.wait_indirect_dma semaphore(%arg7 : memref<!tpu.dma_semaphore, #tpu.memory_space<semaphore_mem>>) src(%dma_wait3A_72 : memref<16384x1024xf32, #tpu.memory_space<hbm>>) dst(%dma_wait3A_66 : memref<16x1024xf32, #tpu.memory_space<vmem>>)
    %add3A_73 = arith.constant 0 : i32
    %add3A_74 = arith.addi %mul3A_2, %add3A_73 : i32
    %dma_start3A_75 = arith.constant 0 : i32
    %dma_start3A_76 = arith.constant 0 : i32
    %dma_start3A_77 = arith.constant 0 : i32
    %dma_start3A_78 = tpu.memref_slice %arg6[%dma_start3A_75, %dma_start3A_76, %dma_start3A_77] : memref<6x16x1024xf32, #tpu.memory_space<vmem>> -> memref<1x16x1024xf32, #tpu.memory_space<vmem>>
    %dma_start3A_79 = tpu.memref_squeeze %dma_start3A_78 : memref<1x16x1024xf32, #tpu.memory_space<vmem>> -> memref<16x1024xf32, #tpu.memory_space<vmem>>
    %dma_start3A_80 = arith.constant 0 : i32
    %dma_start3A_81 = tpu.memref_slice %arg4[%add3A_74, %dma_start3A_80] : memref<16384x1024xf32, #tpu.memory_space<hbm>> -> memref<16x1024xf32, #tpu.memory_space<hbm>>
    %dma_start3A_82 = arith.constant 0 : i32
    %dma_start3A_83 = tpu.memref_slice %arg4[%add3A_74, %dma_start3A_82] : memref<16384x1024xf32, #tpu.memory_space<hbm>> -> memref<16x1024xf32, #tpu.memory_space<hbm>>
    %dma_start3A_84 = arith.constant 0 : i32
    %dma_start3A_85 = arith.constant 0 : i32
    %dma_start3A_86 = tpu.memref_slice %arg6[%dma_start3A_75, %dma_start3A_84, %dma_start3A_85] : memref<6x16x1024xf32, #tpu.memory_space<vmem>> -> memref<1x16x1024xf32, #tpu.memory_space<vmem>>
    %dma_start3A_87 = tpu.memref_squeeze %dma_start3A_86 : memref<1x16x1024xf32, #tpu.memory_space<vmem>> -> memref<16x1024xf32, #tpu.memory_space<vmem>>
    tpu.enqueue_dma source(%dma_start3A_87 : memref<16x1024xf32, #tpu.memory_space<vmem>>) target(%dma_start3A_83 : memref<16x1024xf32, #tpu.memory_space<hbm>>) target_semaphore(%arg13 : memref<!tpu.dma_semaphore, #tpu.memory_space<semaphore_mem>>)
    %dma_start3A_88 = arith.constant 5 : i32
    %dma_start3A_89 = arith.constant 5 : i32
    %dma_start3A_90 = arith.constant 0 : i32
    %dma_start3A_91 = arith.constant 0 : i32
    %dma_start3A_92 = tpu.memref_slice %arg6[%dma_start3A_89, %dma_start3A_90, %dma_start3A_91] : memref<6x16x1024xf32, #tpu.memory_space<vmem>> -> memref<1x16x1024xf32, #tpu.memory_space<vmem>>
    %dma_start3A_93 = tpu.memref_squeeze %dma_start3A_92 : memref<1x16x1024xf32, #tpu.memory_space<vmem>> -> memref<16x1024xf32, #tpu.memory_space<vmem>>
    %dma_start3A_94 = arith.constant 0 : i32
    %dma_start3A_95 = tpu.memref_slice %arg5[%dma_start3A_88, %dma_start3A_94] : memref<32x16xi32, #tpu.memory_space<vmem>> -> memref<1x16xi32, #tpu.memory_space<vmem>>
    %dma_start3A_96 = tpu.memref_squeeze %dma_start3A_95 : memref<1x16xi32, #tpu.memory_space<vmem>> -> memref<16xi32, #tpu.memory_space<vmem>>
    %dma_start3A_97 = arith.constant 0 : i32
    %dma_start3A_98 = arith.constant 0 : i32
    %dma_start3A_99 = tpu.memref_slice %arg2[%dma_start3A_97, %dma_start3A_98] : memref<16384x1024xf32, #tpu.memory_space<hbm>> -> memref<16384x1024xf32, #tpu.memory_space<hbm>>
    tpu.enqueue_indirect_dma source(%dma_start3A_99 : memref<16384x1024xf32, #tpu.memory_space<hbm>>) target(%dma_start3A_93 : memref<16x1024xf32, #tpu.memory_space<vmem>>) offsets(%dma_start3A_96 : memref<16xi32, #tpu.memory_space<vmem>>) semaphore(%arg12 : memref<!tpu.dma_semaphore, #tpu.memory_space<semaphore_mem>>)
    %dma_wait3A_100 = arith.constant 1 : i32
    %dma_wait3A_101 = arith.constant 1 : i32
    %dma_wait3A_102 = arith.constant 0 : i32
    %dma_wait3A_103 = arith.constant 0 : i32
    %dma_wait3A_104 = tpu.memref_slice %arg6[%dma_wait3A_101, %dma_wait3A_102, %dma_wait3A_103] : memref<6x16x1024xf32, #tpu.memory_space<vmem>> -> memref<1x16x1024xf32, #tpu.memory_space<vmem>>
    %dma_wait3A_105 = tpu.memref_squeeze %dma_wait3A_104 : memref<1x16x1024xf32, #tpu.memory_space<vmem>> -> memref<16x1024xf32, #tpu.memory_space<vmem>>
    %dma_wait3A_106 = arith.constant 0 : i32
    %dma_wait3A_107 = tpu.memref_slice %arg5[%dma_wait3A_100, %dma_wait3A_106] : memref<32x16xi32, #tpu.memory_space<vmem>> -> memref<1x16xi32, #tpu.memory_space<vmem>>
    %dma_wait3A_108 = tpu.memref_squeeze %dma_wait3A_107 : memref<1x16xi32, #tpu.memory_space<vmem>> -> memref<16xi32, #tpu.memory_space<vmem>>
    %dma_wait3A_109 = arith.constant 0 : i32
    %dma_wait3A_110 = arith.constant 0 : i32
    %dma_wait3A_111 = tpu.memref_slice %arg2[%dma_wait3A_109, %dma_wait3A_110] : memref<16384x1024xf32, #tpu.memory_space<hbm>> -> memref<16384x1024xf32, #tpu.memory_space<hbm>>
    tpu.wait_indirect_dma semaphore(%arg8 : memref<!tpu.dma_semaphore, #tpu.memory_space<semaphore_mem>>) src(%dma_wait3A_111 : memref<16384x1024xf32, #tpu.memory_space<hbm>>) dst(%dma_wait3A_105 : memref<16x1024xf32, #tpu.memory_space<vmem>>)
    %add3A_112 = arith.constant 16 : i32
    %add3A_113 = arith.addi %mul3A_2, %add3A_112 : i32
    %dma_start3A_114 = arith.constant 1 : i32
    %dma_start3A_115 = arith.constant 0 : i32
    %dma_start3A_116 = arith.constant 0 : i32
    %dma_start3A_117 = tpu.memref_slice %arg6[%dma_start3A_114, %dma_start3A_115, %dma_start3A_116] : memref<6x16x1024xf32, #tpu.memory_space<vmem>> -> memref<1x16x1024xf32, #tpu.memory_space<vmem>>
    %dma_start3A_118 = tpu.memref_squeeze %dma_start3A_117 : memref<1x16x1024xf32, #tpu.memory_space<vmem>> -> memref<16x1024xf32, #tpu.memory_space<vmem>>
    %dma_start3A_119 = arith.constant 0 : i32
    %dma_start3A_120 = tpu.memref_slice %arg4[%add3A_113, %dma_start3A_119] : memref<16384x1024xf32, #tpu.memory_space<hbm>> -> memref<16x1024xf32, #tpu.memory_space<hbm>>
    %dma_start3A_121 = arith.constant 0 : i32
    %dma_start3A_122 = tpu.memref_slice %arg4[%add3A_113, %dma_start3A_121] : memref<16384x1024xf32, #tpu.memory_space<hbm>> -> memref<16x1024xf32, #tpu.memory_space<hbm>>
    %dma_start3A_123 = arith.constant 0 : i32
    %dma_start3A_124 = arith.constant 0 : i32
    %dma_start3A_125 = tpu.memref_slice %arg6[%dma_start3A_114, %dma_start3A_123, %dma_start3A_124] : memref<6x16x1024xf32, #tpu.memory_space<vmem>> -> memref<1x16x1024xf32, #tpu.memory_space<vmem>>
    %dma_start3A_126 = tpu.memref_squeeze %dma_start3A_125 : memref<1x16x1024xf32, #tpu.memory_space<vmem>> -> memref<16x1024xf32, #tpu.memory_space<vmem>>
    tpu.enqueue_dma source(%dma_start3A_126 : memref<16x1024xf32, #tpu.memory_space<vmem>>) target(%dma_start3A_122 : memref<16x1024xf32, #tpu.memory_space<hbm>>) target_semaphore(%arg14 : memref<!tpu.dma_semaphore, #tpu.memory_space<semaphore_mem>>)
    %scan3A = arith.constant 0 : i32
    %scan3A_127 = arith.constant 5 : i32
    %scan3A_128 = arith.addi %scan3A, %scan3A_127 : i32
    %scan3A_129 = arith.constant 1 : i32
    scf.for %scan3A_221 = %scan3A to %scan3A_128 step %scan3A_129  : i32 {
      %mul3A_222 = arith.constant 6 : i32
      %mul3A_223 = arith.muli %scan3A_221, %mul3A_222 : i32
      %add3A_224 = arith.constant 2 : i32
      %add3A_225 = arith.addi %add3A_224, %mul3A_223 : i32
      %add3A_226 = arith.constant 0 : i32
      %add3A_227 = arith.addi %add3A_225, %add3A_226 : i32
      %add3A_228 = arith.constant 4 : i32
      %add3A_229 = arith.addi %add3A_227, %add3A_228 : i32
      %lt3A = arith.constant 32 : i32
      %lt3A_230 = arith.cmpi slt, %add3A_229, %lt3A : i32
      %convert_element_type3A = arith.extui %lt3A_230 : i1 to i32
      %cond3A = arith.constant 0 : i32
      %cond3A_231 = arith.cmpi ne, %convert_element_type3A, %cond3A : i32
      scf.if %cond3A_231 {
        %sub3A = arith.constant 2 : i32
        %sub3A_439 = arith.subi %add3A_227, %sub3A : i32
        %mul3A_440 = arith.constant 16 : i32
        %mul3A_441 = arith.muli %sub3A_439, %mul3A_440 : i32
        %add3A_442 = arith.addi %mul3A_2, %mul3A_441 : i32
        %dma_wait3A_443 = arith.constant 0 : i32
        %dma_wait3A_444 = arith.constant 0 : i32
        %dma_wait3A_445 = arith.constant 0 : i32
        %dma_wait3A_446 = tpu.memref_slice %arg6[%dma_wait3A_443, %dma_wait3A_444, %dma_wait3A_445] : memref<6x16x1024xf32, #tpu.memory_space<vmem>> -> memref<1x16x1024xf32, #tpu.memory_space<vmem>>
        %dma_wait3A_447 = tpu.memref_squeeze %dma_wait3A_446 : memref<1x16x1024xf32, #tpu.memory_space<vmem>> -> memref<16x1024xf32, #tpu.memory_space<vmem>>
        %dma_wait3A_448 = arith.constant 0 : i32
        %dma_wait3A_449 = tpu.memref_slice %arg4[%add3A_442, %dma_wait3A_448] : memref<16384x1024xf32, #tpu.memory_space<hbm>> -> memref<16x1024xf32, #tpu.memory_space<hbm>>
        %dma_wait3A_450 = arith.constant 0 : i32
        %dma_wait3A_451 = tpu.memref_slice %arg4[%add3A_442, %dma_wait3A_450] : memref<16384x1024xf32, #tpu.memory_space<hbm>> -> memref<16x1024xf32, #tpu.memory_space<hbm>>
        %dma_wait3A_452 = arith.constant 0 : i32
        %dma_wait3A_453 = arith.constant 0 : i32
        %dma_wait3A_454 = tpu.memref_slice %arg6[%dma_wait3A_443, %dma_wait3A_452, %dma_wait3A_453] : memref<6x16x1024xf32, #tpu.memory_space<vmem>> -> memref<1x16x1024xf32, #tpu.memory_space<vmem>>
        %dma_wait3A_455 = tpu.memref_squeeze %dma_wait3A_454 : memref<1x16x1024xf32, #tpu.memory_space<vmem>> -> memref<16x1024xf32, #tpu.memory_space<vmem>>
        tpu.wait_dma2 semaphore(%arg13 : memref<!tpu.dma_semaphore, #tpu.memory_space<semaphore_mem>>) src(%dma_wait3A_455 : memref<16x1024xf32, #tpu.memory_space<vmem>>) dst(%dma_wait3A_451 : memref<16x1024xf32, #tpu.memory_space<hbm>>)
        %add3A_456 = arith.constant 4 : i32
        %add3A_457 = arith.addi %add3A_227, %add3A_456 : i32
        %dma_start3A_458 = arith.constant 0 : i32
        %dma_start3A_459 = arith.constant 0 : i32
        %dma_start3A_460 = arith.constant 0 : i32
        %dma_start3A_461 = tpu.memref_slice %arg6[%dma_start3A_458, %dma_start3A_459, %dma_start3A_460] : memref<6x16x1024xf32, #tpu.memory_space<vmem>> -> memref<1x16x1024xf32, #tpu.memory_space<vmem>>
        %dma_start3A_462 = tpu.memref_squeeze %dma_start3A_461 : memref<1x16x1024xf32, #tpu.memory_space<vmem>> -> memref<16x1024xf32, #tpu.memory_space<vmem>>
        %dma_start3A_463 = arith.constant 0 : i32
        %dma_start3A_464 = tpu.memref_slice %arg5[%add3A_457, %dma_start3A_463] : memref<32x16xi32, #tpu.memory_space<vmem>> -> memref<1x16xi32, #tpu.memory_space<vmem>>
        %dma_start3A_465 = tpu.memref_squeeze %dma_start3A_464 : memref<1x16xi32, #tpu.memory_space<vmem>> -> memref<16xi32, #tpu.memory_space<vmem>>
        %dma_start3A_466 = arith.constant 0 : i32
        %dma_start3A_467 = arith.constant 0 : i32
        %dma_start3A_468 = tpu.memref_slice %arg2[%dma_start3A_466, %dma_start3A_467] : memref<16384x1024xf32, #tpu.memory_space<hbm>> -> memref<16384x1024xf32, #tpu.memory_space<hbm>>
        tpu.enqueue_indirect_dma source(%dma_start3A_468 : memref<16384x1024xf32, #tpu.memory_space<hbm>>) target(%dma_start3A_462 : memref<16x1024xf32, #tpu.memory_space<vmem>>) offsets(%dma_start3A_465 : memref<16xi32, #tpu.memory_space<vmem>>) semaphore(%arg7 : memref<!tpu.dma_semaphore, #tpu.memory_space<semaphore_mem>>)
      } else {
      }
      %dma_wait3A_232 = arith.constant 2 : i32
      %dma_wait3A_233 = arith.constant 0 : i32
      %dma_wait3A_234 = arith.constant 0 : i32
      %dma_wait3A_235 = tpu.memref_slice %arg6[%dma_wait3A_232, %dma_wait3A_233, %dma_wait3A_234] : memref<6x16x1024xf32, #tpu.memory_space<vmem>> -> memref<1x16x1024xf32, #tpu.memory_space<vmem>>
      %dma_wait3A_236 = tpu.memref_squeeze %dma_wait3A_235 : memref<1x16x1024xf32, #tpu.memory_space<vmem>> -> memref<16x1024xf32, #tpu.memory_space<vmem>>
      %dma_wait3A_237 = arith.constant 0 : i32
      %dma_wait3A_238 = tpu.memref_slice %arg5[%add3A_227, %dma_wait3A_237] : memref<32x16xi32, #tpu.memory_space<vmem>> -> memref<1x16xi32, #tpu.memory_space<vmem>>
      %dma_wait3A_239 = tpu.memref_squeeze %dma_wait3A_238 : memref<1x16xi32, #tpu.memory_space<vmem>> -> memref<16xi32, #tpu.memory_space<vmem>>
      %dma_wait3A_240 = arith.constant 0 : i32
      %dma_wait3A_241 = arith.constant 0 : i32
      %dma_wait3A_242 = tpu.memref_slice %arg2[%dma_wait3A_240, %dma_wait3A_241] : memref<16384x1024xf32, #tpu.memory_space<hbm>> -> memref<16384x1024xf32, #tpu.memory_space<hbm>>
      tpu.wait_indirect_dma semaphore(%arg9 : memref<!tpu.dma_semaphore, #tpu.memory_space<semaphore_mem>>) src(%dma_wait3A_242 : memref<16384x1024xf32, #tpu.memory_space<hbm>>) dst(%dma_wait3A_236 : memref<16x1024xf32, #tpu.memory_space<vmem>>)
      %mul3A_243 = arith.constant 16 : i32
      %mul3A_244 = arith.muli %add3A_227, %mul3A_243 : i32
      %add3A_245 = arith.addi %mul3A_2, %mul3A_244 : i32
      %dma_start3A_246 = arith.constant 2 : i32
      %dma_start3A_247 = arith.constant 0 : i32
      %dma_start3A_248 = arith.constant 0 : i32
      %dma_start3A_249 = tpu.memref_slice %arg6[%dma_start3A_246, %dma_start3A_247, %dma_start3A_248] : memref<6x16x1024xf32, #tpu.memory_space<vmem>> -> memref<1x16x1024xf32, #tpu.memory_space<vmem>>
      %dma_start3A_250 = tpu.memref_squeeze %dma_start3A_249 : memref<1x16x1024xf32, #tpu.memory_space<vmem>> -> memref<16x1024xf32, #tpu.memory_space<vmem>>
      %dma_start3A_251 = arith.constant 0 : i32
      %dma_start3A_252 = tpu.memref_slice %arg4[%add3A_245, %dma_start3A_251] : memref<16384x1024xf32, #tpu.memory_space<hbm>> -> memref<16x1024xf32, #tpu.memory_space<hbm>>
      %dma_start3A_253 = arith.constant 0 : i32
      %dma_start3A_254 = tpu.memref_slice %arg4[%add3A_245, %dma_start3A_253] : memref<16384x1024xf32, #tpu.memory_space<hbm>> -> memref<16x1024xf32, #tpu.memory_space<hbm>>
      %dma_start3A_255 = arith.constant 0 : i32
      %dma_start3A_256 = arith.constant 0 : i32
      %dma_start3A_257 = tpu.memref_slice %arg6[%dma_start3A_246, %dma_start3A_255, %dma_start3A_256] : memref<6x16x1024xf32, #tpu.memory_space<vmem>> -> memref<1x16x1024xf32, #tpu.memory_space<vmem>>
      %dma_start3A_258 = tpu.memref_squeeze %dma_start3A_257 : memref<1x16x1024xf32, #tpu.memory_space<vmem>> -> memref<16x1024xf32, #tpu.memory_space<vmem>>
      tpu.enqueue_dma source(%dma_start3A_258 : memref<16x1024xf32, #tpu.memory_space<vmem>>) target(%dma_start3A_254 : memref<16x1024xf32, #tpu.memory_space<hbm>>) target_semaphore(%arg15 : memref<!tpu.dma_semaphore, #tpu.memory_space<semaphore_mem>>)
      %add3A_259 = arith.constant 1 : i32
      %add3A_260 = arith.addi %add3A_225, %add3A_259 : i32
      %add3A_261 = arith.constant 4 : i32
      %add3A_262 = arith.addi %add3A_260, %add3A_261 : i32
      %lt3A_263 = arith.constant 32 : i32
      %lt3A_264 = arith.cmpi slt, %add3A_262, %lt3A_263 : i32
      %convert_element_type3A_265 = arith.extui %lt3A_264 : i1 to i32
      %cond3A_266 = arith.constant 0 : i32
      %cond3A_267 = arith.cmpi ne, %convert_element_type3A_265, %cond3A_266 : i32
      scf.if %cond3A_267 {
        %sub3A = arith.constant 2 : i32
        %sub3A_439 = arith.subi %add3A_260, %sub3A : i32
        %mul3A_440 = arith.constant 16 : i32
        %mul3A_441 = arith.muli %sub3A_439, %mul3A_440 : i32
        %add3A_442 = arith.addi %mul3A_2, %mul3A_441 : i32
        %dma_wait3A_443 = arith.constant 1 : i32
        %dma_wait3A_444 = arith.constant 0 : i32
        %dma_wait3A_445 = arith.constant 0 : i32
        %dma_wait3A_446 = tpu.memref_slice %arg6[%dma_wait3A_443, %dma_wait3A_444, %dma_wait3A_445] : memref<6x16x1024xf32, #tpu.memory_space<vmem>> -> memref<1x16x1024xf32, #tpu.memory_space<vmem>>
        %dma_wait3A_447 = tpu.memref_squeeze %dma_wait3A_446 : memref<1x16x1024xf32, #tpu.memory_space<vmem>> -> memref<16x1024xf32, #tpu.memory_space<vmem>>
        %dma_wait3A_448 = arith.constant 0 : i32
        %dma_wait3A_449 = tpu.memref_slice %arg4[%add3A_442, %dma_wait3A_448] : memref<16384x1024xf32, #tpu.memory_space<hbm>> -> memref<16x1024xf32, #tpu.memory_space<hbm>>
        %dma_wait3A_450 = arith.constant 0 : i32
        %dma_wait3A_451 = tpu.memref_slice %arg4[%add3A_442, %dma_wait3A_450] : memref<16384x1024xf32, #tpu.memory_space<hbm>> -> memref<16x1024xf32, #tpu.memory_space<hbm>>
        %dma_wait3A_452 = arith.constant 0 : i32
        %dma_wait3A_453 = arith.constant 0 : i32
        %dma_wait3A_454 = tpu.memref_slice %arg6[%dma_wait3A_443, %dma_wait3A_452, %dma_wait3A_453] : memref<6x16x1024xf32, #tpu.memory_space<vmem>> -> memref<1x16x1024xf32, #tpu.memory_space<vmem>>
        %dma_wait3A_455 = tpu.memref_squeeze %dma_wait3A_454 : memref<1x16x1024xf32, #tpu.memory_space<vmem>> -> memref<16x1024xf32, #tpu.memory_space<vmem>>
        tpu.wait_dma2 semaphore(%arg14 : memref<!tpu.dma_semaphore, #tpu.memory_space<semaphore_mem>>) src(%dma_wait3A_455 : memref<16x1024xf32, #tpu.memory_space<vmem>>) dst(%dma_wait3A_451 : memref<16x1024xf32, #tpu.memory_space<hbm>>)
        %add3A_456 = arith.constant 4 : i32
        %add3A_457 = arith.addi %add3A_260, %add3A_456 : i32
        %dma_start3A_458 = arith.constant 1 : i32
        %dma_start3A_459 = arith.constant 0 : i32
        %dma_start3A_460 = arith.constant 0 : i32
        %dma_start3A_461 = tpu.memref_slice %arg6[%dma_start3A_458, %dma_start3A_459, %dma_start3A_460] : memref<6x16x1024xf32, #tpu.memory_space<vmem>> -> memref<1x16x1024xf32, #tpu.memory_space<vmem>>
        %dma_start3A_462 = tpu.memref_squeeze %dma_start3A_461 : memref<1x16x1024xf32, #tpu.memory_space<vmem>> -> memref<16x1024xf32, #tpu.memory_space<vmem>>
        %dma_start3A_463 = arith.constant 0 : i32
        %dma_start3A_464 = tpu.memref_slice %arg5[%add3A_457, %dma_start3A_463] : memref<32x16xi32, #tpu.memory_space<vmem>> -> memref<1x16xi32, #tpu.memory_space<vmem>>
        %dma_start3A_465 = tpu.memref_squeeze %dma_start3A_464 : memref<1x16xi32, #tpu.memory_space<vmem>> -> memref<16xi32, #tpu.memory_space<vmem>>
        %dma_start3A_466 = arith.constant 0 : i32
        %dma_start3A_467 = arith.constant 0 : i32
        %dma_start3A_468 = tpu.memref_slice %arg2[%dma_start3A_466, %dma_start3A_467] : memref<16384x1024xf32, #tpu.memory_space<hbm>> -> memref<16384x1024xf32, #tpu.memory_space<hbm>>
        tpu.enqueue_indirect_dma source(%dma_start3A_468 : memref<16384x1024xf32, #tpu.memory_space<hbm>>) target(%dma_start3A_462 : memref<16x1024xf32, #tpu.memory_space<vmem>>) offsets(%dma_start3A_465 : memref<16xi32, #tpu.memory_space<vmem>>) semaphore(%arg8 : memref<!tpu.dma_semaphore, #tpu.memory_space<semaphore_mem>>)
      } else {
      }
      %dma_wait3A_268 = arith.constant 3 : i32
      %dma_wait3A_269 = arith.constant 0 : i32
      %dma_wait3A_270 = arith.constant 0 : i32
      %dma_wait3A_271 = tpu.memref_slice %arg6[%dma_wait3A_268, %dma_wait3A_269, %dma_wait3A_270] : memref<6x16x1024xf32, #tpu.memory_space<vmem>> -> memref<1x16x1024xf32, #tpu.memory_space<vmem>>
      %dma_wait3A_272 = tpu.memref_squeeze %dma_wait3A_271 : memref<1x16x1024xf32, #tpu.memory_space<vmem>> -> memref<16x1024xf32, #tpu.memory_space<vmem>>
      %dma_wait3A_273 = arith.constant 0 : i32
      %dma_wait3A_274 = tpu.memref_slice %arg5[%add3A_260, %dma_wait3A_273] : memref<32x16xi32, #tpu.memory_space<vmem>> -> memref<1x16xi32, #tpu.memory_space<vmem>>
      %dma_wait3A_275 = tpu.memref_squeeze %dma_wait3A_274 : memref<1x16xi32, #tpu.memory_space<vmem>> -> memref<16xi32, #tpu.memory_space<vmem>>
      %dma_wait3A_276 = arith.constant 0 : i32
      %dma_wait3A_277 = arith.constant 0 : i32
      %dma_wait3A_278 = tpu.memref_slice %arg2[%dma_wait3A_276, %dma_wait3A_277] : memref<16384x1024xf32, #tpu.memory_space<hbm>> -> memref<16384x1024xf32, #tpu.memory_space<hbm>>
      tpu.wait_indirect_dma semaphore(%arg10 : memref<!tpu.dma_semaphore, #tpu.memory_space<semaphore_mem>>) src(%dma_wait3A_278 : memref<16384x1024xf32, #tpu.memory_space<hbm>>) dst(%dma_wait3A_272 : memref<16x1024xf32, #tpu.memory_space<vmem>>)
      %mul3A_279 = arith.constant 16 : i32
      %mul3A_280 = arith.muli %add3A_260, %mul3A_279 : i32
      %add3A_281 = arith.addi %mul3A_2, %mul3A_280 : i32
      %dma_start3A_282 = arith.constant 3 : i32
      %dma_start3A_283 = arith.constant 0 : i32
      %dma_start3A_284 = arith.constant 0 : i32
      %dma_start3A_285 = tpu.memref_slice %arg6[%dma_start3A_282, %dma_start3A_283, %dma_start3A_284] : memref<6x16x1024xf32, #tpu.memory_space<vmem>> -> memref<1x16x1024xf32, #tpu.memory_space<vmem>>
      %dma_start3A_286 = tpu.memref_squeeze %dma_start3A_285 : memref<1x16x1024xf32, #tpu.memory_space<vmem>> -> memref<16x1024xf32, #tpu.memory_space<vmem>>
      %dma_start3A_287 = arith.constant 0 : i32
      %dma_start3A_288 = tpu.memref_slice %arg4[%add3A_281, %dma_start3A_287] : memref<16384x1024xf32, #tpu.memory_space<hbm>> -> memref<16x1024xf32, #tpu.memory_space<hbm>>
      %dma_start3A_289 = arith.constant 0 : i32
      %dma_start3A_290 = tpu.memref_slice %arg4[%add3A_281, %dma_start3A_289] : memref<16384x1024xf32, #tpu.memory_space<hbm>> -> memref<16x1024xf32, #tpu.memory_space<hbm>>
      %dma_start3A_291 = arith.constant 0 : i32
      %dma_start3A_292 = arith.constant 0 : i32
      %dma_start3A_293 = tpu.memref_slice %arg6[%dma_start3A_282, %dma_start3A_291, %dma_start3A_292] : memref<6x16x1024xf32, #tpu.memory_space<vmem>> -> memref<1x16x1024xf32, #tpu.memory_space<vmem>>
      %dma_start3A_294 = tpu.memref_squeeze %dma_start3A_293 : memref<1x16x1024xf32, #tpu.memory_space<vmem>> -> memref<16x1024xf32, #tpu.memory_space<vmem>>
      tpu.enqueue_dma source(%dma_start3A_294 : memref<16x1024xf32, #tpu.memory_space<vmem>>) target(%dma_start3A_290 : memref<16x1024xf32, #tpu.memory_space<hbm>>) target_semaphore(%arg16 : memref<!tpu.dma_semaphore, #tpu.memory_space<semaphore_mem>>)
      %add3A_295 = arith.constant 2 : i32
      %add3A_296 = arith.addi %add3A_225, %add3A_295 : i32
      %add3A_297 = arith.constant 4 : i32
      %add3A_298 = arith.addi %add3A_296, %add3A_297 : i32
      %lt3A_299 = arith.constant 32 : i32
      %lt3A_300 = arith.cmpi slt, %add3A_298, %lt3A_299 : i32
      %convert_element_type3A_301 = arith.extui %lt3A_300 : i1 to i32
      %cond3A_302 = arith.constant 0 : i32
      %cond3A_303 = arith.cmpi ne, %convert_element_type3A_301, %cond3A_302 : i32
      scf.if %cond3A_303 {
        %sub3A = arith.constant 2 : i32
        %sub3A_439 = arith.subi %add3A_296, %sub3A : i32
        %mul3A_440 = arith.constant 16 : i32
        %mul3A_441 = arith.muli %sub3A_439, %mul3A_440 : i32
        %add3A_442 = arith.addi %mul3A_2, %mul3A_441 : i32
        %dma_wait3A_443 = arith.constant 2 : i32
        %dma_wait3A_444 = arith.constant 0 : i32
        %dma_wait3A_445 = arith.constant 0 : i32
        %dma_wait3A_446 = tpu.memref_slice %arg6[%dma_wait3A_443, %dma_wait3A_444, %dma_wait3A_445] : memref<6x16x1024xf32, #tpu.memory_space<vmem>> -> memref<1x16x1024xf32, #tpu.memory_space<vmem>>
        %dma_wait3A_447 = tpu.memref_squeeze %dma_wait3A_446 : memref<1x16x1024xf32, #tpu.memory_space<vmem>> -> memref<16x1024xf32, #tpu.memory_space<vmem>>
        %dma_wait3A_448 = arith.constant 0 : i32
        %dma_wait3A_449 = tpu.memref_slice %arg4[%add3A_442, %dma_wait3A_448] : memref<16384x1024xf32, #tpu.memory_space<hbm>> -> memref<16x1024xf32, #tpu.memory_space<hbm>>
        %dma_wait3A_450 = arith.constant 0 : i32
        %dma_wait3A_451 = tpu.memref_slice %arg4[%add3A_442, %dma_wait3A_450] : memref<16384x1024xf32, #tpu.memory_space<hbm>> -> memref<16x1024xf32, #tpu.memory_space<hbm>>
        %dma_wait3A_452 = arith.constant 0 : i32
        %dma_wait3A_453 = arith.constant 0 : i32
        %dma_wait3A_454 = tpu.memref_slice %arg6[%dma_wait3A_443, %dma_wait3A_452, %dma_wait3A_453] : memref<6x16x1024xf32, #tpu.memory_space<vmem>> -> memref<1x16x1024xf32, #tpu.memory_space<vmem>>
        %dma_wait3A_455 = tpu.memref_squeeze %dma_wait3A_454 : memref<1x16x1024xf32, #tpu.memory_space<vmem>> -> memref<16x1024xf32, #tpu.memory_space<vmem>>
        tpu.wait_dma2 semaphore(%arg15 : memref<!tpu.dma_semaphore, #tpu.memory_space<semaphore_mem>>) src(%dma_wait3A_455 : memref<16x1024xf32, #tpu.memory_space<vmem>>) dst(%dma_wait3A_451 : memref<16x1024xf32, #tpu.memory_space<hbm>>)
        %add3A_456 = arith.constant 4 : i32
        %add3A_457 = arith.addi %add3A_296, %add3A_456 : i32
        %dma_start3A_458 = arith.constant 2 : i32
        %dma_start3A_459 = arith.constant 0 : i32
        %dma_start3A_460 = arith.constant 0 : i32
        %dma_start3A_461 = tpu.memref_slice %arg6[%dma_start3A_458, %dma_start3A_459, %dma_start3A_460] : memref<6x16x1024xf32, #tpu.memory_space<vmem>> -> memref<1x16x1024xf32, #tpu.memory_space<vmem>>
        %dma_start3A_462 = tpu.memref_squeeze %dma_start3A_461 : memref<1x16x1024xf32, #tpu.memory_space<vmem>> -> memref<16x1024xf32, #tpu.memory_space<vmem>>
        %dma_start3A_463 = arith.constant 0 : i32
        %dma_start3A_464 = tpu.memref_slice %arg5[%add3A_457, %dma_start3A_463] : memref<32x16xi32, #tpu.memory_space<vmem>> -> memref<1x16xi32, #tpu.memory_space<vmem>>
        %dma_start3A_465 = tpu.memref_squeeze %dma_start3A_464 : memref<1x16xi32, #tpu.memory_space<vmem>> -> memref<16xi32, #tpu.memory_space<vmem>>
        %dma_start3A_466 = arith.constant 0 : i32
        %dma_start3A_467 = arith.constant 0 : i32
        %dma_start3A_468 = tpu.memref_slice %arg2[%dma_start3A_466, %dma_start3A_467] : memref<16384x1024xf32, #tpu.memory_space<hbm>> -> memref<16384x1024xf32, #tpu.memory_space<hbm>>
        tpu.enqueue_indirect_dma source(%dma_start3A_468 : memref<16384x1024xf32, #tpu.memory_space<hbm>>) target(%dma_start3A_462 : memref<16x1024xf32, #tpu.memory_space<vmem>>) offsets(%dma_start3A_465 : memref<16xi32, #tpu.memory_space<vmem>>) semaphore(%arg9 : memref<!tpu.dma_semaphore, #tpu.memory_space<semaphore_mem>>)
      } else {
      }
      %dma_wait3A_304 = arith.constant 4 : i32
      %dma_wait3A_305 = arith.constant 0 : i32
      %dma_wait3A_306 = arith.constant 0 : i32
      %dma_wait3A_307 = tpu.memref_slice %arg6[%dma_wait3A_304, %dma_wait3A_305, %dma_wait3A_306] : memref<6x16x1024xf32, #tpu.memory_space<vmem>> -> memref<1x16x1024xf32, #tpu.memory_space<vmem>>
      %dma_wait3A_308 = tpu.memref_squeeze %dma_wait3A_307 : memref<1x16x1024xf32, #tpu.memory_space<vmem>> -> memref<16x1024xf32, #tpu.memory_space<vmem>>
      %dma_wait3A_309 = arith.constant 0 : i32
      %dma_wait3A_310 = tpu.memref_slice %arg5[%add3A_296, %dma_wait3A_309] : memref<32x16xi32, #tpu.memory_space<vmem>> -> memref<1x16xi32, #tpu.memory_space<vmem>>
      %dma_wait3A_311 = tpu.memref_squeeze %dma_wait3A_310 : memref<1x16xi32, #tpu.memory_space<vmem>> -> memref<16xi32, #tpu.memory_space<vmem>>
      %dma_wait3A_312 = arith.constant 0 : i32
      %dma_wait3A_313 = arith.constant 0 : i32
      %dma_wait3A_314 = tpu.memref_slice %arg2[%dma_wait3A_312, %dma_wait3A_313] : memref<16384x1024xf32, #tpu.memory_space<hbm>> -> memref<16384x1024xf32, #tpu.memory_space<hbm>>
      tpu.wait_indirect_dma semaphore(%arg11 : memref<!tpu.dma_semaphore, #tpu.memory_space<semaphore_mem>>) src(%dma_wait3A_314 : memref<16384x1024xf32, #tpu.memory_space<hbm>>) dst(%dma_wait3A_308 : memref<16x1024xf32, #tpu.memory_space<vmem>>)
      %mul3A_315 = arith.constant 16 : i32
      %mul3A_316 = arith.muli %add3A_296, %mul3A_315 : i32
      %add3A_317 = arith.addi %mul3A_2, %mul3A_316 : i32
      %dma_start3A_318 = arith.constant 4 : i32
      %dma_start3A_319 = arith.constant 0 : i32
      %dma_start3A_320 = arith.constant 0 : i32
      %dma_start3A_321 = tpu.memref_slice %arg6[%dma_start3A_318, %dma_start3A_319, %dma_start3A_320] : memref<6x16x1024xf32, #tpu.memory_space<vmem>> -> memref<1x16x1024xf32, #tpu.memory_space<vmem>>
      %dma_start3A_322 = tpu.memref_squeeze %dma_start3A_321 : memref<1x16x1024xf32, #tpu.memory_space<vmem>> -> memref<16x1024xf32, #tpu.memory_space<vmem>>
      %dma_start3A_323 = arith.constant 0 : i32
      %dma_start3A_324 = tpu.memref_slice %arg4[%add3A_317, %dma_start3A_323] : memref<16384x1024xf32, #tpu.memory_space<hbm>> -> memref<16x1024xf32, #tpu.memory_space<hbm>>
      %dma_start3A_325 = arith.constant 0 : i32
      %dma_start3A_326 = tpu.memref_slice %arg4[%add3A_317, %dma_start3A_325] : memref<16384x1024xf32, #tpu.memory_space<hbm>> -> memref<16x1024xf32, #tpu.memory_space<hbm>>
      %dma_start3A_327 = arith.constant 0 : i32
      %dma_start3A_328 = arith.constant 0 : i32
      %dma_start3A_329 = tpu.memref_slice %arg6[%dma_start3A_318, %dma_start3A_327, %dma_start3A_328] : memref<6x16x1024xf32, #tpu.memory_space<vmem>> -> memref<1x16x1024xf32, #tpu.memory_space<vmem>>
      %dma_start3A_330 = tpu.memref_squeeze %dma_start3A_329 : memref<1x16x1024xf32, #tpu.memory_space<vmem>> -> memref<16x1024xf32, #tpu.memory_space<vmem>>
      tpu.enqueue_dma source(%dma_start3A_330 : memref<16x1024xf32, #tpu.memory_space<vmem>>) target(%dma_start3A_326 : memref<16x1024xf32, #tpu.memory_space<hbm>>) target_semaphore(%arg17 : memref<!tpu.dma_semaphore, #tpu.memory_space<semaphore_mem>>)
      %add3A_331 = arith.constant 3 : i32
      %add3A_332 = arith.addi %add3A_225, %add3A_331 : i32
      %add3A_333 = arith.constant 4 : i32
      %add3A_334 = arith.addi %add3A_332, %add3A_333 : i32
      %lt3A_335 = arith.constant 32 : i32
      %lt3A_336 = arith.cmpi slt, %add3A_334, %lt3A_335 : i32
      %convert_element_type3A_337 = arith.extui %lt3A_336 : i1 to i32
      %cond3A_338 = arith.constant 0 : i32
      %cond3A_339 = arith.cmpi ne, %convert_element_type3A_337, %cond3A_338 : i32
      scf.if %cond3A_339 {
        %sub3A = arith.constant 2 : i32
        %sub3A_439 = arith.subi %add3A_332, %sub3A : i32
        %mul3A_440 = arith.constant 16 : i32
        %mul3A_441 = arith.muli %sub3A_439, %mul3A_440 : i32
        %add3A_442 = arith.addi %mul3A_2, %mul3A_441 : i32
        %dma_wait3A_443 = arith.constant 3 : i32
        %dma_wait3A_444 = arith.constant 0 : i32
        %dma_wait3A_445 = arith.constant 0 : i32
        %dma_wait3A_446 = tpu.memref_slice %arg6[%dma_wait3A_443, %dma_wait3A_444, %dma_wait3A_445] : memref<6x16x1024xf32, #tpu.memory_space<vmem>> -> memref<1x16x1024xf32, #tpu.memory_space<vmem>>
        %dma_wait3A_447 = tpu.memref_squeeze %dma_wait3A_446 : memref<1x16x1024xf32, #tpu.memory_space<vmem>> -> memref<16x1024xf32, #tpu.memory_space<vmem>>
        %dma_wait3A_448 = arith.constant 0 : i32
        %dma_wait3A_449 = tpu.memref_slice %arg4[%add3A_442, %dma_wait3A_448] : memref<16384x1024xf32, #tpu.memory_space<hbm>> -> memref<16x1024xf32, #tpu.memory_space<hbm>>
        %dma_wait3A_450 = arith.constant 0 : i32
        %dma_wait3A_451 = tpu.memref_slice %arg4[%add3A_442, %dma_wait3A_450] : memref<16384x1024xf32, #tpu.memory_space<hbm>> -> memref<16x1024xf32, #tpu.memory_space<hbm>>
        %dma_wait3A_452 = arith.constant 0 : i32
        %dma_wait3A_453 = arith.constant 0 : i32
        %dma_wait3A_454 = tpu.memref_slice %arg6[%dma_wait3A_443, %dma_wait3A_452, %dma_wait3A_453] : memref<6x16x1024xf32, #tpu.memory_space<vmem>> -> memref<1x16x1024xf32, #tpu.memory_space<vmem>>
        %dma_wait3A_455 = tpu.memref_squeeze %dma_wait3A_454 : memref<1x16x1024xf32, #tpu.memory_space<vmem>> -> memref<16x1024xf32, #tpu.memory_space<vmem>>
        tpu.wait_dma2 semaphore(%arg16 : memref<!tpu.dma_semaphore, #tpu.memory_space<semaphore_mem>>) src(%dma_wait3A_455 : memref<16x1024xf32, #tpu.memory_space<vmem>>) dst(%dma_wait3A_451 : memref<16x1024xf32, #tpu.memory_space<hbm>>)
        %add3A_456 = arith.constant 4 : i32
        %add3A_457 = arith.addi %add3A_332, %add3A_456 : i32
        %dma_start3A_458 = arith.constant 3 : i32
        %dma_start3A_459 = arith.constant 0 : i32
        %dma_start3A_460 = arith.constant 0 : i32
        %dma_start3A_461 = tpu.memref_slice %arg6[%dma_start3A_458, %dma_start3A_459, %dma_start3A_460] : memref<6x16x1024xf32, #tpu.memory_space<vmem>> -> memref<1x16x1024xf32, #tpu.memory_space<vmem>>
        %dma_start3A_462 = tpu.memref_squeeze %dma_start3A_461 : memref<1x16x1024xf32, #tpu.memory_space<vmem>> -> memref<16x1024xf32, #tpu.memory_space<vmem>>
        %dma_start3A_463 = arith.constant 0 : i32
        %dma_start3A_464 = tpu.memref_slice %arg5[%add3A_457, %dma_start3A_463] : memref<32x16xi32, #tpu.memory_space<vmem>> -> memref<1x16xi32, #tpu.memory_space<vmem>>
        %dma_start3A_465 = tpu.memref_squeeze %dma_start3A_464 : memref<1x16xi32, #tpu.memory_space<vmem>> -> memref<16xi32, #tpu.memory_space<vmem>>
        %dma_start3A_466 = arith.constant 0 : i32
        %dma_start3A_467 = arith.constant 0 : i32
        %dma_start3A_468 = tpu.memref_slice %arg2[%dma_start3A_466, %dma_start3A_467] : memref<16384x1024xf32, #tpu.memory_space<hbm>> -> memref<16384x1024xf32, #tpu.memory_space<hbm>>
        tpu.enqueue_indirect_dma source(%dma_start3A_468 : memref<16384x1024xf32, #tpu.memory_space<hbm>>) target(%dma_start3A_462 : memref<16x1024xf32, #tpu.memory_space<vmem>>) offsets(%dma_start3A_465 : memref<16xi32, #tpu.memory_space<vmem>>) semaphore(%arg10 : memref<!tpu.dma_semaphore, #tpu.memory_space<semaphore_mem>>)
      } else {
      }
      %dma_wait3A_340 = arith.constant 5 : i32
      %dma_wait3A_341 = arith.constant 0 : i32
      %dma_wait3A_342 = arith.constant 0 : i32
      %dma_wait3A_343 = tpu.memref_slice %arg6[%dma_wait3A_340, %dma_wait3A_341, %dma_wait3A_342] : memref<6x16x1024xf32, #tpu.memory_space<vmem>> -> memref<1x16x1024xf32, #tpu.memory_space<vmem>>
      %dma_wait3A_344 = tpu.memref_squeeze %dma_wait3A_343 : memref<1x16x1024xf32, #tpu.memory_space<vmem>> -> memref<16x1024xf32, #tpu.memory_space<vmem>>
      %dma_wait3A_345 = arith.constant 0 : i32
      %dma_wait3A_346 = tpu.memref_slice %arg5[%add3A_332, %dma_wait3A_345] : memref<32x16xi32, #tpu.memory_space<vmem>> -> memref<1x16xi32, #tpu.memory_space<vmem>>
      %dma_wait3A_347 = tpu.memref_squeeze %dma_wait3A_346 : memref<1x16xi32, #tpu.memory_space<vmem>> -> memref<16xi32, #tpu.memory_space<vmem>>
      %dma_wait3A_348 = arith.constant 0 : i32
      %dma_wait3A_349 = arith.constant 0 : i32
      %dma_wait3A_350 = tpu.memref_slice %arg2[%dma_wait3A_348, %dma_wait3A_349] : memref<16384x1024xf32, #tpu.memory_space<hbm>> -> memref<16384x1024xf32, #tpu.memory_space<hbm>>
      tpu.wait_indirect_dma semaphore(%arg12 : memref<!tpu.dma_semaphore, #tpu.memory_space<semaphore_mem>>) src(%dma_wait3A_350 : memref<16384x1024xf32, #tpu.memory_space<hbm>>) dst(%dma_wait3A_344 : memref<16x1024xf32, #tpu.memory_space<vmem>>)
      %mul3A_351 = arith.constant 16 : i32
      %mul3A_352 = arith.muli %add3A_332, %mul3A_351 : i32
      %add3A_353 = arith.addi %mul3A_2, %mul3A_352 : i32
      %dma_start3A_354 = arith.constant 5 : i32
      %dma_start3A_355 = arith.constant 0 : i32
      %dma_start3A_356 = arith.constant 0 : i32
      %dma_start3A_357 = tpu.memref_slice %arg6[%dma_start3A_354, %dma_start3A_355, %dma_start3A_356] : memref<6x16x1024xf32, #tpu.memory_space<vmem>> -> memref<1x16x1024xf32, #tpu.memory_space<vmem>>
      %dma_start3A_358 = tpu.memref_squeeze %dma_start3A_357 : memref<1x16x1024xf32, #tpu.memory_space<vmem>> -> memref<16x1024xf32, #tpu.memory_space<vmem>>
      %dma_start3A_359 = arith.constant 0 : i32
      %dma_start3A_360 = tpu.memref_slice %arg4[%add3A_353, %dma_start3A_359] : memref<16384x1024xf32, #tpu.memory_space<hbm>> -> memref<16x1024xf32, #tpu.memory_space<hbm>>
      %dma_start3A_361 = arith.constant 0 : i32
      %dma_start3A_362 = tpu.memref_slice %arg4[%add3A_353, %dma_start3A_361] : memref<16384x1024xf32, #tpu.memory_space<hbm>> -> memref<16x1024xf32, #tpu.memory_space<hbm>>
      %dma_start3A_363 = arith.constant 0 : i32
      %dma_start3A_364 = arith.constant 0 : i32
      %dma_start3A_365 = tpu.memref_slice %arg6[%dma_start3A_354, %dma_start3A_363, %dma_start3A_364] : memref<6x16x1024xf32, #tpu.memory_space<vmem>> -> memref<1x16x1024xf32, #tpu.memory_space<vmem>>
      %dma_start3A_366 = tpu.memref_squeeze %dma_start3A_365 : memref<1x16x1024xf32, #tpu.memory_space<vmem>> -> memref<16x1024xf32, #tpu.memory_space<vmem>>
      tpu.enqueue_dma source(%dma_start3A_366 : memref<16x1024xf32, #tpu.memory_space<vmem>>) target(%dma_start3A_362 : memref<16x1024xf32, #tpu.memory_space<hbm>>) target_semaphore(%arg18 : memref<!tpu.dma_semaphore, #tpu.memory_space<semaphore_mem>>)
      %add3A_367 = arith.constant 4 : i32
      %add3A_368 = arith.addi %add3A_225, %add3A_367 : i32
      %add3A_369 = arith.constant 4 : i32
      %add3A_370 = arith.addi %add3A_368, %add3A_369 : i32
      %lt3A_371 = arith.constant 32 : i32
      %lt3A_372 = arith.cmpi slt, %add3A_370, %lt3A_371 : i32
      %convert_element_type3A_373 = arith.extui %lt3A_372 : i1 to i32
      %cond3A_374 = arith.constant 0 : i32
      %cond3A_375 = arith.cmpi ne, %convert_element_type3A_373, %cond3A_374 : i32
      scf.if %cond3A_375 {
        %sub3A = arith.constant 2 : i32
        %sub3A_439 = arith.subi %add3A_368, %sub3A : i32
        %mul3A_440 = arith.constant 16 : i32
        %mul3A_441 = arith.muli %sub3A_439, %mul3A_440 : i32
        %add3A_442 = arith.addi %mul3A_2, %mul3A_441 : i32
        %dma_wait3A_443 = arith.constant 4 : i32
        %dma_wait3A_444 = arith.constant 0 : i32
        %dma_wait3A_445 = arith.constant 0 : i32
        %dma_wait3A_446 = tpu.memref_slice %arg6[%dma_wait3A_443, %dma_wait3A_444, %dma_wait3A_445] : memref<6x16x1024xf32, #tpu.memory_space<vmem>> -> memref<1x16x1024xf32, #tpu.memory_space<vmem>>
        %dma_wait3A_447 = tpu.memref_squeeze %dma_wait3A_446 : memref<1x16x1024xf32, #tpu.memory_space<vmem>> -> memref<16x1024xf32, #tpu.memory_space<vmem>>
        %dma_wait3A_448 = arith.constant 0 : i32
        %dma_wait3A_449 = tpu.memref_slice %arg4[%add3A_442, %dma_wait3A_448] : memref<16384x1024xf32, #tpu.memory_space<hbm>> -> memref<16x1024xf32, #tpu.memory_space<hbm>>
        %dma_wait3A_450 = arith.constant 0 : i32
        %dma_wait3A_451 = tpu.memref_slice %arg4[%add3A_442, %dma_wait3A_450] : memref<16384x1024xf32, #tpu.memory_space<hbm>> -> memref<16x1024xf32, #tpu.memory_space<hbm>>
        %dma_wait3A_452 = arith.constant 0 : i32
        %dma_wait3A_453 = arith.constant 0 : i32
        %dma_wait3A_454 = tpu.memref_slice %arg6[%dma_wait3A_443, %dma_wait3A_452, %dma_wait3A_453] : memref<6x16x1024xf32, #tpu.memory_space<vmem>> -> memref<1x16x1024xf32, #tpu.memory_space<vmem>>
        %dma_wait3A_455 = tpu.memref_squeeze %dma_wait3A_454 : memref<1x16x1024xf32, #tpu.memory_space<vmem>> -> memref<16x1024xf32, #tpu.memory_space<vmem>>
        tpu.wait_dma2 semaphore(%arg17 : memref<!tpu.dma_semaphore, #tpu.memory_space<semaphore_mem>>) src(%dma_wait3A_455 : memref<16x1024xf32, #tpu.memory_space<vmem>>) dst(%dma_wait3A_451 : memref<16x1024xf32, #tpu.memory_space<hbm>>)
        %add3A_456 = arith.constant 4 : i32
        %add3A_457 = arith.addi %add3A_368, %add3A_456 : i32
        %dma_start3A_458 = arith.constant 4 : i32
        %dma_start3A_459 = arith.constant 0 : i32
        %dma_start3A_460 = arith.constant 0 : i32
        %dma_start3A_461 = tpu.memref_slice %arg6[%dma_start3A_458, %dma_start3A_459, %dma_start3A_460] : memref<6x16x1024xf32, #tpu.memory_space<vmem>> -> memref<1x16x1024xf32, #tpu.memory_space<vmem>>
        %dma_start3A_462 = tpu.memref_squeeze %dma_start3A_461 : memref<1x16x1024xf32, #tpu.memory_space<vmem>> -> memref<16x1024xf32, #tpu.memory_space<vmem>>
        %dma_start3A_463 = arith.constant 0 : i32
        %dma_start3A_464 = tpu.memref_slice %arg5[%add3A_457, %dma_start3A_463] : memref<32x16xi32, #tpu.memory_space<vmem>> -> memref<1x16xi32, #tpu.memory_space<vmem>>
        %dma_start3A_465 = tpu.memref_squeeze %dma_start3A_464 : memref<1x16xi32, #tpu.memory_space<vmem>> -> memref<16xi32, #tpu.memory_space<vmem>>
        %dma_start3A_466 = arith.constant 0 : i32
        %dma_start3A_467 = arith.constant 0 : i32
        %dma_start3A_468 = tpu.memref_slice %arg2[%dma_start3A_466, %dma_start3A_467] : memref<16384x1024xf32, #tpu.memory_space<hbm>> -> memref<16384x1024xf32, #tpu.memory_space<hbm>>
        tpu.enqueue_indirect_dma source(%dma_start3A_468 : memref<16384x1024xf32, #tpu.memory_space<hbm>>) target(%dma_start3A_462 : memref<16x1024xf32, #tpu.memory_space<vmem>>) offsets(%dma_start3A_465 : memref<16xi32, #tpu.memory_space<vmem>>) semaphore(%arg11 : memref<!tpu.dma_semaphore, #tpu.memory_space<semaphore_mem>>)
      } else {
      }
      %dma_wait3A_376 = arith.constant 0 : i32
      %dma_wait3A_377 = arith.constant 0 : i32
      %dma_wait3A_378 = arith.constant 0 : i32
      %dma_wait3A_379 = tpu.memref_slice %arg6[%dma_wait3A_376, %dma_wait3A_377, %dma_wait3A_378] : memref<6x16x1024xf32, #tpu.memory_space<vmem>> -> memref<1x16x1024xf32, #tpu.memory_space<vmem>>
      %dma_wait3A_380 = tpu.memref_squeeze %dma_wait3A_379 : memref<1x16x1024xf32, #tpu.memory_space<vmem>> -> memref<16x1024xf32, #tpu.memory_space<vmem>>
      %dma_wait3A_381 = arith.constant 0 : i32
      %dma_wait3A_382 = tpu.memref_slice %arg5[%add3A_368, %dma_wait3A_381] : memref<32x16xi32, #tpu.memory_space<vmem>> -> memref<1x16xi32, #tpu.memory_space<vmem>>
      %dma_wait3A_383 = tpu.memref_squeeze %dma_wait3A_382 : memref<1x16xi32, #tpu.memory_space<vmem>> -> memref<16xi32, #tpu.memory_space<vmem>>
      %dma_wait3A_384 = arith.constant 0 : i32
      %dma_wait3A_385 = arith.constant 0 : i32
      %dma_wait3A_386 = tpu.memref_slice %arg2[%dma_wait3A_384, %dma_wait3A_385] : memref<16384x1024xf32, #tpu.memory_space<hbm>> -> memref<16384x1024xf32, #tpu.memory_space<hbm>>
      tpu.wait_indirect_dma semaphore(%arg7 : memref<!tpu.dma_semaphore, #tpu.memory_space<semaphore_mem>>) src(%dma_wait3A_386 : memref<16384x1024xf32, #tpu.memory_space<hbm>>) dst(%dma_wait3A_380 : memref<16x1024xf32, #tpu.memory_space<vmem>>)
      %mul3A_387 = arith.constant 16 : i32
      %mul3A_388 = arith.muli %add3A_368, %mul3A_387 : i32
      %add3A_389 = arith.addi %mul3A_2, %mul3A_388 : i32
      %dma_start3A_390 = arith.constant 0 : i32
      %dma_start3A_391 = arith.constant 0 : i32
      %dma_start3A_392 = arith.constant 0 : i32
      %dma_start3A_393 = tpu.memref_slice %arg6[%dma_start3A_390, %dma_start3A_391, %dma_start3A_392] : memref<6x16x1024xf32, #tpu.memory_space<vmem>> -> memref<1x16x1024xf32, #tpu.memory_space<vmem>>
      %dma_start3A_394 = tpu.memref_squeeze %dma_start3A_393 : memref<1x16x1024xf32, #tpu.memory_space<vmem>> -> memref<16x1024xf32, #tpu.memory_space<vmem>>
      %dma_start3A_395 = arith.constant 0 : i32
      %dma_start3A_396 = tpu.memref_slice %arg4[%add3A_389, %dma_start3A_395] : memref<16384x1024xf32, #tpu.memory_space<hbm>> -> memref<16x1024xf32, #tpu.memory_space<hbm>>
      %dma_start3A_397 = arith.constant 0 : i32
      %dma_start3A_398 = tpu.memref_slice %arg4[%add3A_389, %dma_start3A_397] : memref<16384x1024xf32, #tpu.memory_space<hbm>> -> memref<16x1024xf32, #tpu.memory_space<hbm>>
      %dma_start3A_399 = arith.constant 0 : i32
      %dma_start3A_400 = arith.constant 0 : i32
      %dma_start3A_401 = tpu.memref_slice %arg6[%dma_start3A_390, %dma_start3A_399, %dma_start3A_400] : memref<6x16x1024xf32, #tpu.memory_space<vmem>> -> memref<1x16x1024xf32, #tpu.memory_space<vmem>>
      %dma_start3A_402 = tpu.memref_squeeze %dma_start3A_401 : memref<1x16x1024xf32, #tpu.memory_space<vmem>> -> memref<16x1024xf32, #tpu.memory_space<vmem>>
      tpu.enqueue_dma source(%dma_start3A_402 : memref<16x1024xf32, #tpu.memory_space<vmem>>) target(%dma_start3A_398 : memref<16x1024xf32, #tpu.memory_space<hbm>>) target_semaphore(%arg13 : memref<!tpu.dma_semaphore, #tpu.memory_space<semaphore_mem>>)
      %add3A_403 = arith.constant 5 : i32
      %add3A_404 = arith.addi %add3A_225, %add3A_403 : i32
      %add3A_405 = arith.constant 4 : i32
      %add3A_406 = arith.addi %add3A_404, %add3A_405 : i32
      %lt3A_407 = arith.constant 32 : i32
      %lt3A_408 = arith.cmpi slt, %add3A_406, %lt3A_407 : i32
      %convert_element_type3A_409 = arith.extui %lt3A_408 : i1 to i32
      %cond3A_410 = arith.constant 0 : i32
      %cond3A_411 = arith.cmpi ne, %convert_element_type3A_409, %cond3A_410 : i32
      scf.if %cond3A_411 {
        %sub3A = arith.constant 2 : i32
        %sub3A_439 = arith.subi %add3A_404, %sub3A : i32
        %mul3A_440 = arith.constant 16 : i32
        %mul3A_441 = arith.muli %sub3A_439, %mul3A_440 : i32
        %add3A_442 = arith.addi %mul3A_2, %mul3A_441 : i32
        %dma_wait3A_443 = arith.constant 5 : i32
        %dma_wait3A_444 = arith.constant 0 : i32
        %dma_wait3A_445 = arith.constant 0 : i32
        %dma_wait3A_446 = tpu.memref_slice %arg6[%dma_wait3A_443, %dma_wait3A_444, %dma_wait3A_445] : memref<6x16x1024xf32, #tpu.memory_space<vmem>> -> memref<1x16x1024xf32, #tpu.memory_space<vmem>>
        %dma_wait3A_447 = tpu.memref_squeeze %dma_wait3A_446 : memref<1x16x1024xf32, #tpu.memory_space<vmem>> -> memref<16x1024xf32, #tpu.memory_space<vmem>>
        %dma_wait3A_448 = arith.constant 0 : i32
        %dma_wait3A_449 = tpu.memref_slice %arg4[%add3A_442, %dma_wait3A_448] : memref<16384x1024xf32, #tpu.memory_space<hbm>> -> memref<16x1024xf32, #tpu.memory_space<hbm>>
        %dma_wait3A_450 = arith.constant 0 : i32
        %dma_wait3A_451 = tpu.memref_slice %arg4[%add3A_442, %dma_wait3A_450] : memref<16384x1024xf32, #tpu.memory_space<hbm>> -> memref<16x1024xf32, #tpu.memory_space<hbm>>
        %dma_wait3A_452 = arith.constant 0 : i32
        %dma_wait3A_453 = arith.constant 0 : i32
        %dma_wait3A_454 = tpu.memref_slice %arg6[%dma_wait3A_443, %dma_wait3A_452, %dma_wait3A_453] : memref<6x16x1024xf32, #tpu.memory_space<vmem>> -> memref<1x16x1024xf32, #tpu.memory_space<vmem>>
        %dma_wait3A_455 = tpu.memref_squeeze %dma_wait3A_454 : memref<1x16x1024xf32, #tpu.memory_space<vmem>> -> memref<16x1024xf32, #tpu.memory_space<vmem>>
        tpu.wait_dma2 semaphore(%arg18 : memref<!tpu.dma_semaphore, #tpu.memory_space<semaphore_mem>>) src(%dma_wait3A_455 : memref<16x1024xf32, #tpu.memory_space<vmem>>) dst(%dma_wait3A_451 : memref<16x1024xf32, #tpu.memory_space<hbm>>)
        %add3A_456 = arith.constant 4 : i32
        %add3A_457 = arith.addi %add3A_404, %add3A_456 : i32
        %dma_start3A_458 = arith.constant 5 : i32
        %dma_start3A_459 = arith.constant 0 : i32
        %dma_start3A_460 = arith.constant 0 : i32
        %dma_start3A_461 = tpu.memref_slice %arg6[%dma_start3A_458, %dma_start3A_459, %dma_start3A_460] : memref<6x16x1024xf32, #tpu.memory_space<vmem>> -> memref<1x16x1024xf32, #tpu.memory_space<vmem>>
        %dma_start3A_462 = tpu.memref_squeeze %dma_start3A_461 : memref<1x16x1024xf32, #tpu.memory_space<vmem>> -> memref<16x1024xf32, #tpu.memory_space<vmem>>
        %dma_start3A_463 = arith.constant 0 : i32
        %dma_start3A_464 = tpu.memref_slice %arg5[%add3A_457, %dma_start3A_463] : memref<32x16xi32, #tpu.memory_space<vmem>> -> memref<1x16xi32, #tpu.memory_space<vmem>>
        %dma_start3A_465 = tpu.memref_squeeze %dma_start3A_464 : memref<1x16xi32, #tpu.memory_space<vmem>> -> memref<16xi32, #tpu.memory_space<vmem>>
        %dma_start3A_466 = arith.constant 0 : i32
        %dma_start3A_467 = arith.constant 0 : i32
        %dma_start3A_468 = tpu.memref_slice %arg2[%dma_start3A_466, %dma_start3A_467] : memref<16384x1024xf32, #tpu.memory_space<hbm>> -> memref<16384x1024xf32, #tpu.memory_space<hbm>>
        tpu.enqueue_indirect_dma source(%dma_start3A_468 : memref<16384x1024xf32, #tpu.memory_space<hbm>>) target(%dma_start3A_462 : memref<16x1024xf32, #tpu.memory_space<vmem>>) offsets(%dma_start3A_465 : memref<16xi32, #tpu.memory_space<vmem>>) semaphore(%arg12 : memref<!tpu.dma_semaphore, #tpu.memory_space<semaphore_mem>>)
      } else {
      }
      %dma_wait3A_412 = arith.constant 1 : i32
      %dma_wait3A_413 = arith.constant 0 : i32
      %dma_wait3A_414 = arith.constant 0 : i32
      %dma_wait3A_415 = tpu.memref_slice %arg6[%dma_wait3A_412, %dma_wait3A_413, %dma_wait3A_414] : memref<6x16x1024xf32, #tpu.memory_space<vmem>> -> memref<1x16x1024xf32, #tpu.memory_space<vmem>>
      %dma_wait3A_416 = tpu.memref_squeeze %dma_wait3A_415 : memref<1x16x1024xf32, #tpu.memory_space<vmem>> -> memref<16x1024xf32, #tpu.memory_space<vmem>>
      %dma_wait3A_417 = arith.constant 0 : i32
      %dma_wait3A_418 = tpu.memref_slice %arg5[%add3A_404, %dma_wait3A_417] : memref<32x16xi32, #tpu.memory_space<vmem>> -> memref<1x16xi32, #tpu.memory_space<vmem>>
      %dma_wait3A_419 = tpu.memref_squeeze %dma_wait3A_418 : memref<1x16xi32, #tpu.memory_space<vmem>> -> memref<16xi32, #tpu.memory_space<vmem>>
      %dma_wait3A_420 = arith.constant 0 : i32
      %dma_wait3A_421 = arith.constant 0 : i32
      %dma_wait3A_422 = tpu.memref_slice %arg2[%dma_wait3A_420, %dma_wait3A_421] : memref<16384x1024xf32, #tpu.memory_space<hbm>> -> memref<16384x1024xf32, #tpu.memory_space<hbm>>
      tpu.wait_indirect_dma semaphore(%arg8 : memref<!tpu.dma_semaphore, #tpu.memory_space<semaphore_mem>>) src(%dma_wait3A_422 : memref<16384x1024xf32, #tpu.memory_space<hbm>>) dst(%dma_wait3A_416 : memref<16x1024xf32, #tpu.memory_space<vmem>>)
      %mul3A_423 = arith.constant 16 : i32
      %mul3A_424 = arith.muli %add3A_404, %mul3A_423 : i32
      %add3A_425 = arith.addi %mul3A_2, %mul3A_424 : i32
      %dma_start3A_426 = arith.constant 1 : i32
      %dma_start3A_427 = arith.constant 0 : i32
      %dma_start3A_428 = arith.constant 0 : i32
      %dma_start3A_429 = tpu.memref_slice %arg6[%dma_start3A_426, %dma_start3A_427, %dma_start3A_428] : memref<6x16x1024xf32, #tpu.memory_space<vmem>> -> memref<1x16x1024xf32, #tpu.memory_space<vmem>>
      %dma_start3A_430 = tpu.memref_squeeze %dma_start3A_429 : memref<1x16x1024xf32, #tpu.memory_space<vmem>> -> memref<16x1024xf32, #tpu.memory_space<vmem>>
      %dma_start3A_431 = arith.constant 0 : i32
      %dma_start3A_432 = tpu.memref_slice %arg4[%add3A_425, %dma_start3A_431] : memref<16384x1024xf32, #tpu.memory_space<hbm>> -> memref<16x1024xf32, #tpu.memory_space<hbm>>
      %dma_start3A_433 = arith.constant 0 : i32
      %dma_start3A_434 = tpu.memref_slice %arg4[%add3A_425, %dma_start3A_433] : memref<16384x1024xf32, #tpu.memory_space<hbm>> -> memref<16x1024xf32, #tpu.memory_space<hbm>>
      %dma_start3A_435 = arith.constant 0 : i32
      %dma_start3A_436 = arith.constant 0 : i32
      %dma_start3A_437 = tpu.memref_slice %arg6[%dma_start3A_426, %dma_start3A_435, %dma_start3A_436] : memref<6x16x1024xf32, #tpu.memory_space<vmem>> -> memref<1x16x1024xf32, #tpu.memory_space<vmem>>
      %dma_start3A_438 = tpu.memref_squeeze %dma_start3A_437 : memref<1x16x1024xf32, #tpu.memory_space<vmem>> -> memref<16x1024xf32, #tpu.memory_space<vmem>>
      tpu.enqueue_dma source(%dma_start3A_438 : memref<16x1024xf32, #tpu.memory_space<vmem>>) target(%dma_start3A_434 : memref<16x1024xf32, #tpu.memory_space<hbm>>) target_semaphore(%arg14 : memref<!tpu.dma_semaphore, #tpu.memory_space<semaphore_mem>>)
    }
    %scan3A_130 = arith.constant 5 : i32
    %add3A_131 = arith.constant 416 : i32
    %add3A_132 = arith.addi %mul3A_2, %add3A_131 : i32
    %dma_wait3A_133 = arith.constant 2 : i32
    %dma_wait3A_134 = arith.constant 0 : i32
    %dma_wait3A_135 = arith.constant 0 : i32
    %dma_wait3A_136 = tpu.memref_slice %arg6[%dma_wait3A_133, %dma_wait3A_134, %dma_wait3A_135] : memref<6x16x1024xf32, #tpu.memory_space<vmem>> -> memref<1x16x1024xf32, #tpu.memory_space<vmem>>
    %dma_wait3A_137 = tpu.memref_squeeze %dma_wait3A_136 : memref<1x16x1024xf32, #tpu.memory_space<vmem>> -> memref<16x1024xf32, #tpu.memory_space<vmem>>
    %dma_wait3A_138 = arith.constant 0 : i32
    %dma_wait3A_139 = tpu.memref_slice %arg4[%add3A_132, %dma_wait3A_138] : memref<16384x1024xf32, #tpu.memory_space<hbm>> -> memref<16x1024xf32, #tpu.memory_space<hbm>>
    %dma_wait3A_140 = arith.constant 0 : i32
    %dma_wait3A_141 = tpu.memref_slice %arg4[%add3A_132, %dma_wait3A_140] : memref<16384x1024xf32, #tpu.memory_space<hbm>> -> memref<16x1024xf32, #tpu.memory_space<hbm>>
    %dma_wait3A_142 = arith.constant 0 : i32
    %dma_wait3A_143 = arith.constant 0 : i32
    %dma_wait3A_144 = tpu.memref_slice %arg6[%dma_wait3A_133, %dma_wait3A_142, %dma_wait3A_143] : memref<6x16x1024xf32, #tpu.memory_space<vmem>> -> memref<1x16x1024xf32, #tpu.memory_space<vmem>>
    %dma_wait3A_145 = tpu.memref_squeeze %dma_wait3A_144 : memref<1x16x1024xf32, #tpu.memory_space<vmem>> -> memref<16x1024xf32, #tpu.memory_space<vmem>>
    tpu.wait_dma2 semaphore(%arg15 : memref<!tpu.dma_semaphore, #tpu.memory_space<semaphore_mem>>) src(%dma_wait3A_145 : memref<16x1024xf32, #tpu.memory_space<vmem>>) dst(%dma_wait3A_141 : memref<16x1024xf32, #tpu.memory_space<hbm>>)
    %add3A_146 = arith.constant 432 : i32
    %add3A_147 = arith.addi %mul3A_2, %add3A_146 : i32
    %dma_wait3A_148 = arith.constant 3 : i32
    %dma_wait3A_149 = arith.constant 0 : i32
    %dma_wait3A_150 = arith.constant 0 : i32
    %dma_wait3A_151 = tpu.memref_slice %arg6[%dma_wait3A_148, %dma_wait3A_149, %dma_wait3A_150] : memref<6x16x1024xf32, #tpu.memory_space<vmem>> -> memref<1x16x1024xf32, #tpu.memory_space<vmem>>
    %dma_wait3A_152 = tpu.memref_squeeze %dma_wait3A_151 : memref<1x16x1024xf32, #tpu.memory_space<vmem>> -> memref<16x1024xf32, #tpu.memory_space<vmem>>
    %dma_wait3A_153 = arith.constant 0 : i32
    %dma_wait3A_154 = tpu.memref_slice %arg4[%add3A_147, %dma_wait3A_153] : memref<16384x1024xf32, #tpu.memory_space<hbm>> -> memref<16x1024xf32, #tpu.memory_space<hbm>>
    %dma_wait3A_155 = arith.constant 0 : i32
    %dma_wait3A_156 = tpu.memref_slice %arg4[%add3A_147, %dma_wait3A_155] : memref<16384x1024xf32, #tpu.memory_space<hbm>> -> memref<16x1024xf32, #tpu.memory_space<hbm>>
    %dma_wait3A_157 = arith.constant 0 : i32
    %dma_wait3A_158 = arith.constant 0 : i32
    %dma_wait3A_159 = tpu.memref_slice %arg6[%dma_wait3A_148, %dma_wait3A_157, %dma_wait3A_158] : memref<6x16x1024xf32, #tpu.memory_space<vmem>> -> memref<1x16x1024xf32, #tpu.memory_space<vmem>>
    %dma_wait3A_160 = tpu.memref_squeeze %dma_wait3A_159 : memref<1x16x1024xf32, #tpu.memory_space<vmem>> -> memref<16x1024xf32, #tpu.memory_space<vmem>>
    tpu.wait_dma2 semaphore(%arg16 : memref<!tpu.dma_semaphore, #tpu.memory_space<semaphore_mem>>) src(%dma_wait3A_160 : memref<16x1024xf32, #tpu.memory_space<vmem>>) dst(%dma_wait3A_156 : memref<16x1024xf32, #tpu.memory_space<hbm>>)
    %add3A_161 = arith.constant 448 : i32
    %add3A_162 = arith.addi %mul3A_2, %add3A_161 : i32
    %dma_wait3A_163 = arith.constant 4 : i32
    %dma_wait3A_164 = arith.constant 0 : i32
    %dma_wait3A_165 = arith.constant 0 : i32
    %dma_wait3A_166 = tpu.memref_slice %arg6[%dma_wait3A_163, %dma_wait3A_164, %dma_wait3A_165] : memref<6x16x1024xf32, #tpu.memory_space<vmem>> -> memref<1x16x1024xf32, #tpu.memory_space<vmem>>
    %dma_wait3A_167 = tpu.memref_squeeze %dma_wait3A_166 : memref<1x16x1024xf32, #tpu.memory_space<vmem>> -> memref<16x1024xf32, #tpu.memory_space<vmem>>
    %dma_wait3A_168 = arith.constant 0 : i32
    %dma_wait3A_169 = tpu.memref_slice %arg4[%add3A_162, %dma_wait3A_168] : memref<16384x1024xf32, #tpu.memory_space<hbm>> -> memref<16x1024xf32, #tpu.memory_space<hbm>>
    %dma_wait3A_170 = arith.constant 0 : i32
    %dma_wait3A_171 = tpu.memref_slice %arg4[%add3A_162, %dma_wait3A_170] : memref<16384x1024xf32, #tpu.memory_space<hbm>> -> memref<16x1024xf32, #tpu.memory_space<hbm>>
    %dma_wait3A_172 = arith.constant 0 : i32
    %dma_wait3A_173 = arith.constant 0 : i32
    %dma_wait3A_174 = tpu.memref_slice %arg6[%dma_wait3A_163, %dma_wait3A_172, %dma_wait3A_173] : memref<6x16x1024xf32, #tpu.memory_space<vmem>> -> memref<1x16x1024xf32, #tpu.memory_space<vmem>>
    %dma_wait3A_175 = tpu.memref_squeeze %dma_wait3A_174 : memref<1x16x1024xf32, #tpu.memory_space<vmem>> -> memref<16x1024xf32, #tpu.memory_space<vmem>>
    tpu.wait_dma2 semaphore(%arg17 : memref<!tpu.dma_semaphore, #tpu.memory_space<semaphore_mem>>) src(%dma_wait3A_175 : memref<16x1024xf32, #tpu.memory_space<vmem>>) dst(%dma_wait3A_171 : memref<16x1024xf32, #tpu.memory_space<hbm>>)
    %add3A_176 = arith.constant 464 : i32
    %add3A_177 = arith.addi %mul3A_2, %add3A_176 : i32
    %dma_wait3A_178 = arith.constant 5 : i32
    %dma_wait3A_179 = arith.constant 0 : i32
    %dma_wait3A_180 = arith.constant 0 : i32
    %dma_wait3A_181 = tpu.memref_slice %arg6[%dma_wait3A_178, %dma_wait3A_179, %dma_wait3A_180] : memref<6x16x1024xf32, #tpu.memory_space<vmem>> -> memref<1x16x1024xf32, #tpu.memory_space<vmem>>
    %dma_wait3A_182 = tpu.memref_squeeze %dma_wait3A_181 : memref<1x16x1024xf32, #tpu.memory_space<vmem>> -> memref<16x1024xf32, #tpu.memory_space<vmem>>
    %dma_wait3A_183 = arith.constant 0 : i32
    %dma_wait3A_184 = tpu.memref_slice %arg4[%add3A_177, %dma_wait3A_183] : memref<16384x1024xf32, #tpu.memory_space<hbm>> -> memref<16x1024xf32, #tpu.memory_space<hbm>>
    %dma_wait3A_185 = arith.constant 0 : i32
    %dma_wait3A_186 = tpu.memref_slice %arg4[%add3A_177, %dma_wait3A_185] : memref<16384x1024xf32, #tpu.memory_space<hbm>> -> memref<16x1024xf32, #tpu.memory_space<hbm>>
    %dma_wait3A_187 = arith.constant 0 : i32
    %dma_wait3A_188 = arith.constant 0 : i32
    %dma_wait3A_189 = tpu.memref_slice %arg6[%dma_wait3A_178, %dma_wait3A_187, %dma_wait3A_188] : memref<6x16x1024xf32, #tpu.memory_space<vmem>> -> memref<1x16x1024xf32, #tpu.memory_space<vmem>>
    %dma_wait3A_190 = tpu.memref_squeeze %dma_wait3A_189 : memref<1x16x1024xf32, #tpu.memory_space<vmem>> -> memref<16x1024xf32, #tpu.memory_space<vmem>>
    tpu.wait_dma2 semaphore(%arg18 : memref<!tpu.dma_semaphore, #tpu.memory_space<semaphore_mem>>) src(%dma_wait3A_190 : memref<16x1024xf32, #tpu.memory_space<vmem>>) dst(%dma_wait3A_186 : memref<16x1024xf32, #tpu.memory_space<hbm>>)
    %add3A_191 = arith.constant 480 : i32
    %add3A_192 = arith.addi %mul3A_2, %add3A_191 : i32
    %dma_wait3A_193 = arith.constant 0 : i32
    %dma_wait3A_194 = arith.constant 0 : i32
    %dma_wait3A_195 = arith.constant 0 : i32
    %dma_wait3A_196 = tpu.memref_slice %arg6[%dma_wait3A_193, %dma_wait3A_194, %dma_wait3A_195] : memref<6x16x1024xf32, #tpu.memory_space<vmem>> -> memref<1x16x1024xf32, #tpu.memory_space<vmem>>
    %dma_wait3A_197 = tpu.memref_squeeze %dma_wait3A_196 : memref<1x16x1024xf32, #tpu.memory_space<vmem>> -> memref<16x1024xf32, #tpu.memory_space<vmem>>
    %dma_wait3A_198 = arith.constant 0 : i32
    %dma_wait3A_199 = tpu.memref_slice %arg4[%add3A_192, %dma_wait3A_198] : memref<16384x1024xf32, #tpu.memory_space<hbm>> -> memref<16x1024xf32, #tpu.memory_space<hbm>>
    %dma_wait3A_200 = arith.constant 0 : i32
    %dma_wait3A_201 = tpu.memref_slice %arg4[%add3A_192, %dma_wait3A_200] : memref<16384x1024xf32, #tpu.memory_space<hbm>> -> memref<16x1024xf32, #tpu.memory_space<hbm>>
    %dma_wait3A_202 = arith.constant 0 : i32
    %dma_wait3A_203 = arith.constant 0 : i32
    %dma_wait3A_204 = tpu.memref_slice %arg6[%dma_wait3A_193, %dma_wait3A_202, %dma_wait3A_203] : memref<6x16x1024xf32, #tpu.memory_space<vmem>> -> memref<1x16x1024xf32, #tpu.memory_space<vmem>>
    %dma_wait3A_205 = tpu.memref_squeeze %dma_wait3A_204 : memref<1x16x1024xf32, #tpu.memory_space<vmem>> -> memref<16x1024xf32, #tpu.memory_space<vmem>>
    tpu.wait_dma2 semaphore(%arg13 : memref<!tpu.dma_semaphore, #tpu.memory_space<semaphore_mem>>) src(%dma_wait3A_205 : memref<16x1024xf32, #tpu.memory_space<vmem>>) dst(%dma_wait3A_201 : memref<16x1024xf32, #tpu.memory_space<hbm>>)
    %add3A_206 = arith.constant 496 : i32
    %add3A_207 = arith.addi %mul3A_2, %add3A_206 : i32
    %dma_wait3A_208 = arith.constant 1 : i32
    %dma_wait3A_209 = arith.constant 0 : i32
    %dma_wait3A_210 = arith.constant 0 : i32
    %dma_wait3A_211 = tpu.memref_slice %arg6[%dma_wait3A_208, %dma_wait3A_209, %dma_wait3A_210] : memref<6x16x1024xf32, #tpu.memory_space<vmem>> -> memref<1x16x1024xf32, #tpu.memory_space<vmem>>
    %dma_wait3A_212 = tpu.memref_squeeze %dma_wait3A_211 : memref<1x16x1024xf32, #tpu.memory_space<vmem>> -> memref<16x1024xf32, #tpu.memory_space<vmem>>
    %dma_wait3A_213 = arith.constant 0 : i32
    %dma_wait3A_214 = tpu.memref_slice %arg4[%add3A_207, %dma_wait3A_213] : memref<16384x1024xf32, #tpu.memory_space<hbm>> -> memref<16x1024xf32, #tpu.memory_space<hbm>>
    %dma_wait3A_215 = arith.constant 0 : i32
    %dma_wait3A_216 = tpu.memref_slice %arg4[%add3A_207, %dma_wait3A_215] : memref<16384x1024xf32, #tpu.memory_space<hbm>> -> memref<16x1024xf32, #tpu.memory_space<hbm>>
    %dma_wait3A_217 = arith.constant 0 : i32
    %dma_wait3A_218 = arith.constant 0 : i32
    %dma_wait3A_219 = tpu.memref_slice %arg6[%dma_wait3A_208, %dma_wait3A_217, %dma_wait3A_218] : memref<6x16x1024xf32, #tpu.memory_space<vmem>> -> memref<1x16x1024xf32, #tpu.memory_space<vmem>>
    %dma_wait3A_220 = tpu.memref_squeeze %dma_wait3A_219 : memref<1x16x1024xf32, #tpu.memory_space<vmem>> -> memref<16x1024xf32, #tpu.memory_space<vmem>>
    tpu.wait_dma2 semaphore(%arg14 : memref<!tpu.dma_semaphore, #tpu.memory_space<semaphore_mem>>) src(%dma_wait3A_220 : memref<16x1024xf32, #tpu.memory_space<vmem>>) dst(%dma_wait3A_216 : memref<16x1024xf32, #tpu.memory_space<hbm>>)
    return
  }
}

</mosaic_0001>

<sc_bundles>
// kernel: kernel.3.cloned.1.call-start
scs
__scs_entry_jumppad:
0x0: {  	(pc) =	sbr.rel $0x88, $3  }
0x1: {  	(tag) =	ssettag $0x0;
	lr =	simm.s32 $0x1  }
0x2: {  	[smem:$0x3FA0] =	sst lr;
	_ =	strace $0xD0000000  }
0x3: {  	_ = 	snop  }
0x4: {  	_ = 	snop  }
0x5: {  	_ = 	snop  }
0x6: {  	_ = 	snop  }
0x7: {  	_ = 	snop  }
__scs_overlays_trampoline_lowered:
0x8: {  	[smem:$0x3FAF] =	sst s0  }
0x9: {  	[smem:$0x3FB0] =	sst s1  }
0xa: {  	[smem:$0x3FB1] =	sst s2  }
0xb: {  	[smem:$0x3FB2] =	sst s3  }
0xc: {  	[smem:$0x3FB3] =	sst s4  }
0xd: {  	[smem:$0x3FB4] =	sst s5  }
0xe: {  	[smem:$0x3FB5] =	sst s6  }
0xf: {  	[smem:$0x3FB6] =	sst s7  }
0x10: {  	[smem:$0x3FB7] =	sst s8  }
0x11: {  	[smem:$0x3FB8] =	sst s9;
	s0 =	simm.s32 @!p0 $0x0  }
0x12: {  	s1 =	sld [smem:$0x3F9E];
	s0 =	simm.s32 @p0 $0x1  }
0x13: {  	[smem:$0x3FB9] =	sst s0;
	s0 =	simm.s32 @!p1 $0x0  }
0x14: {  	s2 =	sld [smem:$0x3F9D];
	s0 =	simm.s32 @p1 $0x1  }
0x15: {  	[smem:$0x3FBA] =	sst s0;
	s0 =	simm.s32 @!p2 $0x0  }
0x16: {  	s3 =	sld [smem:$0x3FDB];
	s0 =	simm.s32 @p2 $0x1  }
0x17: {  	s4 =	simm.s32 $0x1BF5;
	[smem:$0x3FBC] =	sst s0  }
0x18: {  	s0 =	sld [smem:$0x3F9F];
	_ =	swait.ge [sflag:s4], $0x0  }
0x19: {  	s7 =	sld [smem:$0x3FA0]  }
0x1a: {  	s8 =	sadd.s32 $0xFFFFE003, lr  }
0x1b: {  	s9 =	sadd.s32 $0xFFFFFEF7, lr;
	s5 =	simm.s32 $0xFFFFFFFF;
	p2 =	slt.u32 s8, $0xFFFFF086  }
0x1c: {  	p1 =	slt.u32 s9, $0xF7A;
	s5 =	simm.s32 @!p2 $0x0  }
0x1d: {  	s5 =	simm.s32 @p1 $0x1;
	p0 =	seq.s32 s7, s2  }
0x1e: {  	s7 =	smul.u32 @!p0 $0xF7A, s2;
	p2 =	seq.s32 @!p0 s5, $0x0  }
0x1f: {  	s9 =	smul.u32 $0xF7A, s1;
	s8 =	simm.s32 @!p0 $0x1BF5;
	p2 =	por !p2, p0  }
0x20: {  	[sflag:s8] =	ssyncset.s32 @!p0 $0xFFFFF086;
	s6 =	sadd.s32 @!p0 s3, s7;
	s7 =	simm.s32 @!p0 $0x108  }
0x21: {  	s3 =	sadd.s32 s3, s9;
	s6 =	sadd.s32 @!p0 $0x88, s6;
	s7 =	simm.s32 @p2 $0x1082  }
0x22: {  	[simem:s7], [sflag:s8] =	dma.local @!p0 [hbm:s6], $0xF7A  }
0x23: {  	s9 =	sor.u32 $0xD0000000, s2;
	s6 =	simm.s32 $0x108;
	_ =	swait.ge @!p0 [sflag:s8], $0x0  }
0x24: {  	s3 =	sadd.s32 $0x88, s3;
	s6 =	simm.s32 @!p1 $0x1082;
	[sflag:s4] =	ssyncset.s32 $0xFFFFF086  }
0x25: {  	[simem:s6], [sflag:s4] =	dma.local [hbm:s3], $0xF7A  }
0x26: {  	[smem:$0x3FA0] =	sst s1;
	(tag) =	ssettag s2;
	_ =	strace s9  }
0x27: {  	s1 =	sld [smem:$0x3FB0]  }
0x28: {  	s2 =	sld [smem:$0x3FB1]  }
0x29: {  	s4 =	sld [smem:$0x3FB3]  }
0x2a: {  	p0 =	seq.s32 s5, $0x0;
	s5 =	sld [smem:$0x3FB4]  }
0x2b: {  	s6 =	sld [smem:$0x3FB5]  }
0x2c: {  	s7 =	sld [smem:$0x3FB6]  }
0x2d: {  	s3 =	simm.s32 $0x108;
	s8 =	sld [smem:$0x3FB7]  }
0x2e: {  	s3 =	simm.s32 @!p0 $0x1082;
	s9 =	sld [smem:$0x3FB8]  }
0x2f: {  	lr =	sadd.s32 s0, s3;
	s0 =	sld [smem:$0x3FAF]  }
0x30: {  	s3 =	sld [smem:$0x3FB2]  }
0x31: {  	[smem:$0x3FBB] =	sst s10  }
0x32: {  	s10 =	sld [smem:$0x3FB9];
	_ =	sdelay $0x3  }
0x33: {  	p0 =	seq.s32 s10, $0x1;
	s10 =	sld [smem:$0x3FBB];
	_ =	sdelay $0x3  }
0x34: {  	[smem:$0x3FBB] =	sst s10  }
0x35: {  	s10 =	sld [smem:$0x3FBA];
	_ =	sdelay $0x3  }
0x36: {  	p1 =	seq.s32 s10, $0x1;
	s10 =	sld [smem:$0x3FBB];
	_ =	sdelay $0x3  }
0x37: {  	[smem:$0x3FBB] =	sst s10  }
0x38: {  	s10 =	sld [smem:$0x3FBC]  }
0x39: {  	_ = 	snop;
	(pc) =	sbr.ind lr, $3  }
0x3a: {  	_ = 	snop  }
0x3b: {  	_ = 	snop  }
0x3c: {  	p2 =	seq.s32 s10, $0x1;
	s10 =	sld [smem:$0x3FBB]  }
0x3d: {  	_ =	shalt  }
0x3e: {  	_ =	shalt  }
0x3f: {  	_ =	shalt  }
0x40: {  	_ =	shalt  }
0x41: {  	_ =	shalt  }
0x42: {  	_ =	shalt  }
0x43: {  	_ =	shalt  }
0x44: {  	_ =	shalt  }
0x45: {  	_ =	shalt  }
0x46: {  	_ =	shalt  }
0x47: {  	_ =	shalt  }
0x48: {  	_ =	shalt  }
0x49: {  	_ =	shalt  }
0x4a: {  	_ =	shalt  }
0x4b: {  	_ =	shalt  }
0x4c: {  	_ =	shalt  }
0x4d: {  	_ =	shalt  }
0x4e: {  	_ =	shalt  }
0x4f: {  	_ =	shalt  }
0x50: {  	_ =	shalt  }
0x51: {  	_ =	shalt  }
0x52: {  	_ =	shalt  }
0x53: {  	_ =	shalt  }
0x54: {  	_ =	shalt  }
0x55: {  	_ =	shalt  }
0x56: {  	_ =	shalt  }
0x57: {  	_ =	shalt  }
0x58: {  	_ =	shalt  }
0x59: {  	_ =	shalt  }
0x5a: {  	_ =	shalt  }
0x5b: {  	_ =	shalt  }
0x5c: {  	_ =	shalt  }
0x5d: {  	_ =	shalt  }
0x5e: {  	_ =	shalt  }
0x5f: {  	_ =	shalt  }
0x60: {  	_ =	shalt  }
0x61: {  	_ =	shalt  }
0x62: {  	_ =	shalt  }
0x63: {  	_ =	shalt  }
0x64: {  	_ =	shalt  }
0x65: {  	_ =	shalt  }
0x66: {  	_ =	shalt  }
0x67: {  	_ =	shalt  }
0x68: {  	_ =	shalt  }
0x69: {  	_ =	shalt  }
0x6a: {  	_ =	shalt  }
0x6b: {  	_ =	shalt  }
0x6c: {  	_ =	shalt  }
0x6d: {  	_ =	shalt  }
0x6e: {  	_ =	shalt  }
0x6f: {  	_ =	shalt  }
0x70: {  	_ =	shalt  }
0x71: {  	_ =	shalt  }
0x72: {  	_ =	shalt  }
0x73: {  	_ =	shalt  }
0x74: {  	_ =	shalt  }
0x75: {  	_ =	shalt  }
0x76: {  	_ =	shalt  }
0x77: {  	_ =	shalt  }
0x78: {  	_ =	shalt  }
0x79: {  	_ =	shalt  }
0x7a: {  	_ =	shalt  }
0x7b: {  	_ =	shalt  }
0x7c: {  	_ =	shalt  }
0x7d: {  	_ =	shalt  }
0x7e: {  	_ =	shalt  }
0x7f: {  	_ =	shalt  }
0x80: {  	_ =	shalt  }
0x81: {  	_ =	shalt  }
0x82: {  	_ =	shalt  }
0x83: {  	_ =	shalt  }
0x84: {  	_ =	shalt  }
0x85: {  	_ =	shalt  }
0x86: {  	_ =	shalt  }
0x87: {  	_ =	shalt  }
.Lfunc_end0:
.L_simem_size_0:
called_computation_lowered:
.L_overlay_start_0:
0x88: {  	s2 =	sld [smem:$0x3FD9]  }
0x89: {  	s3 =	sld [smem:$0x3FFE];
	_ =	sdelay $0x1  }
0x8a: {  	s1 =	srdreg.scid  }
0x8b: {  	s0 =	sand.u32 $0x1, s1  }
0x8c: {  	s17 =	sshll.u32 s0, $0xA;
	s2 =	sadd.s32 s3, s2  }
0x8d: {  	s2 =	sadd.s32 s2, s17  }
0x8e: {  	[smem:$0x3FC7] =	sst s2  }
0x8f: {  	_ = 	snop  }
0x90: {  	s2 =	sld [smem:$0x3FC9]  }
0x91: {  	s18 =	sld [smem:$0x3FD0];
	(tm) =	ssettm $0x1  }
0x92: {  	s4 =	sld [smem:$0x3FFB];
	_ =	sdelay $0x3  }
0x93: {  	_ =	strace s4  }
0x94: {  	s4 =	sld [smem:$0x3FFC];
	_ =	sdelay $0x3  }
0x95: {  	_ =	strace s4  }
0x96: {  	s4 =	sld [smem:$0x3FFD];
	_ =	sdelay $0x3  }
0x97: {  	_ =	strace s4  }
0x98: {  	_ =	strace $0x8FFFFFFF  }
0x99: {  	s19 =	sld [smem:$0x3FDB];
	_ =	sdelay $0x1  }
0x9a: {  	s5 =	simm.s32 $_scs_section_size  }
0x9b: {  	s6 =	simm.s32 $_size__tile_overlayer_lowered;
	s7 =	simm.s32 $_tile_overlayer_lowered  }
0x9c: {  	s22 =	simm.s32 $0x1BFF;
	s21 =	sshll.u32 s7, $0x1;
	s4 =	sadd.s32 s5, s19  }
0x9d: {  	s8 =	simm.s32 $0x0;
	s20 =	sshll.u32 s6, $0x1;
	s6 =	sadd.s32 s21, s4  }
0x9e: {  	[timem:s8], [sflag:s22] =	dma.local [hbm:s6], s20  }
0x9f: {  	_ =	swait.ge [sflag:s22], s20  }
0xa0: {  	s5 =	ssub.s32 $0x0, s20;
	[sflag:s22] =	ssyncset.done $0x0  }
0xa1: {  	[sflag:s22] =	ssyncadd.s32 s5;
	_ =	sdelay $0x1  }
0xa2: {  	s23 =	simm.s32 $0x1B8B  }
0xa3: {  	_ =	swait.ge [sflag:s23], $0x1  }
0xa4: {  	[sflag:s23] =	ssyncset.done $0x0  }
0xa5: {  	s25 =	simm.s32 $0x1B8E;
	s24 =	sld [smem:$0x3FFE];
	[sflag:s23] =	ssyncadd.s32 $0xFFFFFFFF  }
0xa6: {  	s26 =	simm.s32 $execute0_lowered;
	[smem:$0x3FD2] =	sst s25  }
0xa7: {  	s6 =	sshll.u32 s26, $0x1;
	_ =	strace $0x80000046;
	[dreg:$0x1] =	wrdreg $0xFFFFFFFF  }
0xa8: {  	s28 =	simm.s32 $_size_execute0_lowered;
	s4 =	sadd.s32 s4, s6;
	[dreg:$0x0] =	wrdreg $0x0  }
0xa9: {  	s6 =	sshll.u32 s28, $0x1;
	[dreg:$0x2] =	wrdreg s4  }
0xaa: {  	[dreg:$0x3] =	wrdreg s6  }
0xab: {  	[dreg:$0x4] =	wrdreg $0xC0  }
0xac: {  	_ =	task [dreg:s8], $0x5FFFF  }
0xad: {  	[dreg:$0x1] =	wrdreg $0xFFFFFFFF  }
0xae: {  	[dreg:$0x0] =	wrdreg $0x60  }
0xaf: {  	[dreg:$0x2] =	wrdreg s2  }
0xb0: {  	[dreg:$0x3] =	wrdreg s24  }
0xb1: {  	[dreg:$0x4] =	wrdreg s18  }
0xb2: {  	[dreg:$0x5] =	wrdreg $0x9  }
0xb3: {  	_ =	task.clear_ibuf [dreg:s8], $0x6FFFF;
	_ =	strace $0x90000046  }
0xb4: {  	s29 =	simm.s32 $0x9;
	_ =	strace $0x80000048  }
0xb5: {  	_ =	swait.ge [sflag:s29], $0x1  }
0xb6: {  	[sflag:s29] =	ssyncadd.s32 $0xFFFFFFFF  }
0xb7: {  	_ =	strace $0x90000048  }
0xb8: {  	_ =	sfence  }
0xb9: {  	s30 =	sld [smem:$0x0];
	_ =	sdelay $0x2  }
0xba: {  	s31 =	sshll.u32 s1, $0xD;
	s1 =	sshrl.u32 s1, $0x2  }
0xbb: {  	s3 =	sand.u32 $0x4000, s31;
	s1 =	sadd.s32 s1, s30  }
0xbc: {  	s0 =	sor.u32 s3, s0;
	s1 =	sshll.u32 s1, $0x11  }
0xbd: {  	s0 =	sor.u32 s1, s0  }
0xbe: {  	s0 =	sadd.s32 $0x8F2B, s0  }
0xbf: {  	[sflag:s0] =	ssyncadd.remote.s32 $0x1  }
0xc0: {  	_ =	sfence.sel $0xFFFF  }
0xc1: {  	[dreg:$0x0] =	wrdreg $0xFFFFFFFF;
	(pc) =	sbr.abs _section_cstart, $3  }
0xc2: {  	[dreg:$0x1] =	wrdreg $0xFFFFFFFF  }
0xc3: {  	_ =	task.clear_ibuf [dreg:s8], $0x2FFFF;
	_ =	strace $0x9FFFFFFF  }
0xc4: {  	(tm) =	ssettm $0x7FFFFFFF  }
0xc5: {  	_ =	shalt  }
tec
execute0_lowered:
.L_overlay_start_1:
0x0: {  	(tag) =	ssettag $0x1  }
0x1: {  	s1 =	rddreg [dreg:$0x0]  }
0x2: {  	s0 =	rddreg [dreg:$0x1]  }
0x3: {  	s2 =	rddreg [dreg:$0x2]  }
0x4: {  	s4 =	srdreg.scid;
	s9 =	stileid.u32  }
0x5: {  	s3 =	simm.s32 $0x0;
	s15 =	simm.s32 $0x1000;
	s29 =	simm.s32 $0x7800  }
0x6: {  	s30 =	simm.s32 $0x8000;
	s31 =	simm.s32 $0x8800;
	s11 =	simm.s32 $0x1  }
0x7: {  	s14 =	simm.s32 $0x15000;
	s12 =	simm.s32 $0x8;
	s16 =	simm.s32 $0x4  }
0x8: {  	s17 =	simm.s32 $0x5;
	s18 =	simm.s32 $0x6;
	s19 =	simm.s32 $0x9  }
0x9: {  	s20 =	simm.s32 $0xA;
	s4 =	sand.u32 $0x1, s4;
	s5 =	sshll.u32 s9, $0x1  }
0xa: {  	[smem:$0x7FF] =	sst s3;
	s25 =	sshll.u32 s9, $0x11;
	s9 =	simm.s32 $0x2  }
0xb: {  	s5 =	sor.u32 s4, s5;
	s6 =	ssub.s32 $0x2, s4;
	_ =	strace $0x80000047  }
0xc: {  	s28 =	sshll.u32 s4, $0x10;
	s4 =	simm.s32 $0xD000;
	s7 =	sshll.u32 s5, $0x9  }
0xd: {  	s8 =	sshrl.u32 s6, $0x1;
	s21 =	sshll.u32 s5, $0x10;
	s5 =	sadd.s32 $0x100, s1  }
0xe: {  	s0 =	sadd.s32 s7, s0;
	s6 =	ssub.s32 s6, s8;
	s10 =	sadd.s32 s2, s21  }
0xf: {  	s7 =	sadd.s32 $0x200, s1;
	s0 =	sadd.s32 $0x400, s0;
	[dreg:$0x5] =	wrdreg s10  }
0x10: {  	s8 =	sadd.s32 $0x300, s1;
	s22 =	sadd.s32 $0x800, s10;
	[dreg:$0x4] =	wrdreg s0  }
0x11: {  	s21 =	simm.s32 $0xB;
	s23 =	sadd.s32 $0xF000, s10;
	[dreg:$0x6] =	wrdreg s22  }
.Ltmp0:
0x12: {  	s24 =	smax.u32 s6, $0x1;
	[dreg:$0x7] =	wrdreg s23;
	(pc) =	sbr.rel .LBB2_1-.Ltmp0, $4  }
0x13: {  	s26 =	sadd.s32 $0xE000, s10;
	s6 =	simm.s32 $0x11000;
	[dreg:$0x8] =	wrdreg s24  }
0x14: {  	v2 =	vlaneseq.u32;
	s10 =	simm.s32 $0x3;
	[dreg:$0x9] =	wrdreg s26;
	s0 =	sadd.s32 s25, s2  }
0x15: {  	vm0 =	vmmov $0xffff;
	v1 =	vshrl.u32 v2, $0x3;
	s23 =	simm.s32 $0x5000;
	s2 =	simm.s32 $0x7;
	s22 =	simm.s32 $0xC  }
0x16: {  	v0 =	vand.u32 $0x7, v2;
	v2 =	vor.u32 $0x8, v2;
	v1 =	vmul.u32 $0x8, v1;
	s25 =	simm.s32 $0x0;
	s13 =	sadd.s32 s28, s0;
	s0 =	simm.s32 $0x9000  }
.LBB2_9:
0x17: {  	_ =	swait.ge [sflag:s19], $0x4000  }
0x18: {  	[sflag:s19] =	ssyncset.done $0x0  }
0x19: {  	[sflag:s19] =	ssyncadd.s32 $0xFFFFC000  }
0x1a: {  	_ =	swait.ge [sflag:s20], $0x4000  }
0x1b: {  	[sflag:s20] =	ssyncset.done $0x0  }
0x1c: {  	[sflag:s20] =	ssyncadd.s32 $0xFFFFC000  }
0x1d: {  	_ =	swait.ge [sflag:s21], $0x4000  }
0x1e: {  	[sflag:s21] =	ssyncset.done $0x0  }
0x1f: {  	[sflag:s21] =	ssyncadd.s32 $0xFFFFC000  }
0x20: {  	_ =	swait.ge [sflag:s22], $0x4000  }
0x21: {  	[sflag:s22] =	ssyncset.done $0x0  }
0x22: {  	[sflag:s22] =	ssyncadd.s32 $0xFFFFC000  }
0x23: {  	_ =	swait.ge [sflag:s2], $0x4000  }
0x24: {  	[sflag:s2] =	ssyncset.done $0x0  }
0x25: {  	[sflag:s2] =	ssyncadd.s32 $0xFFFFC000  }
0x26: {  	_ =	swait.ge [sflag:s12], $0x4000  }
0x27: {  	s25 =	rddreg [dreg:$0xa]  }
0x28: {  	s24 =	rddreg [dreg:$0x8];
	s25 =	sadd.s32 $0x1, s25  }
0x29: {  	p0 =	sne.s32 s25, s24  }
.Ltmp1:
0x2a: {  	_ = 	snop;
	(pc) =	sbr.rel @!p0 .LBB2_10-.Ltmp1, $3  }
0x2b: {  	_ =	sdelay $0x1  }
0x2c: {  	[sflag:s12] =	ssyncset.done $0x0  }
0x2d: {  	[sflag:s12] =	ssyncadd.s32 $0xFFFFC000  }
.LBB2_1:
0x2e: {  	[dreg:$0xa] =	wrdreg s25  }
0x2f: {  	s24 =	rddreg [dreg:$0x4];
	s25 =	simm.s32 $0xD  }
0x30: {  	[tilespmem:s3], [sflag:$0xD] =	stream.linear.gather [hbm4b:s24+s3], $0x1000, $0x38;
	[tilespmem:$0x19000] =	vst v63  }
0x31: {  	_ =	swait.ge [sflag:s25], $0x1000  }
0x32: {  	[sflag:s25] =	ssyncset.done $0x0  }
0x33: {  	[sflag:s25] =	ssyncadd.s32 $0xFFFFF000  }
0x34: {  	v3 =	vld [tilespmem:$0x0];
	_ =	sdelay $0x4  }
0x35: {  	v4 =	vshll.u32 v3, $0x3  }
0x36: {  	v3 =	vand.u32 $0x7, v3;
	v4 =	vand.u32 $0xFFFFFFC0, v4  }
0x37: {  	v3 =	vor.u32 v3, v4  }
0x38: {  	v4 =	vperm.xlane v3, v0;
	_ =	sdelay $0x1  }
0x39: {  	v4 =	vadd.s32 v1, v4;
	_ =	sdelay $0x4  }
0x3a: {  	[tilespmem:s15], [sflag:$0x1] =	stream.indirect_vreg.gather [hbm4b:s1+s3], $0x80, v4, vm0, $0xb8;
	[tilespmem:$0x19000] =	vst v63  }
0x3b: {  	s26 =	simm.s32 $0x1800;
	v3 =	vperm.xlane v3, v2  }
0x3c: {  	[tilespmem:s26], [sflag:$0x1] =	stream.indirect_vreg.gather [hbm4b:s5+s3], $0x80, v4, vm0, $0xb8;
	[tilespmem:$0x19000] =	vst v63  }
0x3d: {  	s28 =	simm.s32 $0x2000;
	v3 =	vadd.s32 v1, v3  }
0x3e: {  	[tilespmem:s28], [sflag:$0x1] =	stream.indirect_vreg.gather [hbm4b:s7+s3], $0x80, v4, vm0, $0xb8;
	[tilespmem:$0x19000] =	vst v63  }
0x3f: {  	s25 =	simm.s32 $0x2800  }
0x40: {  	[tilespmem:s25], [sflag:$0x1] =	stream.indirect_vreg.gather [hbm4b:s8+s3], $0x80, v4, vm0, $0xb8;
	[tilespmem:$0x19000] =	vst v63  }
0x41: {  	s26 =	simm.s32 $0x3000  }
0x42: {  	[tilespmem:s26], [sflag:$0x1] =	stream.indirect_vreg.gather [hbm4b:s1+s3], $0x80, v3, vm0, $0xb8;
	[tilespmem:$0x19000] =	vst v63  }
0x43: {  	s28 =	simm.s32 $0x3800  }
0x44: {  	[tilespmem:s28], [sflag:$0x1] =	stream.indirect_vreg.gather [hbm4b:s5+s3], $0x80, v3, vm0, $0xb8;
	[tilespmem:$0x19000] =	vst v63  }
0x45: {  	s25 =	simm.s32 $0x4000  }
0x46: {  	[tilespmem:s25], [sflag:$0x1] =	stream.indirect_vreg.gather [hbm4b:s7+s3], $0x80, v3, vm0, $0xb8;
	[tilespmem:$0x19000] =	vst v63  }
0x47: {  	s26 =	simm.s32 $0x4800  }
0x48: {  	[tilespmem:s26], [sflag:$0x1] =	stream.indirect_vreg.gather [hbm4b:s8+s3], $0x80, v3, vm0, $0xb8;
	[tilespmem:$0x19000] =	vst v63  }
0x49: {  	v3 =	vld [tilespmem:$0x80];
	_ =	sdelay $0x4  }
0x4a: {  	v59 =	vshll.u32 v3, $0x3  }
0x4b: {  	v3 =	vand.u32 $0x7, v3;
	v4 =	vand.u32 $0xFFFFFFC0, v59  }
0x4c: {  	v3 =	vor.u32 v3, v4  }
0x4d: {  	v4 =	vperm.xlane v3, v0;
	_ =	sdelay $0x1  }
0x4e: {  	v4 =	vadd.s32 v1, v4;
	_ =	sdelay $0x4  }
0x4f: {  	[tilespmem:s23], [sflag:$0x2] =	stream.indirect_vreg.gather [hbm4b:s1+s3], $0x80, v4, vm0, $0xb8;
	[tilespmem:$0x19000] =	vst v63  }
0x50: {  	s28 =	simm.s32 $0x5800;
	v3 =	vperm.xlane v3, v2  }
0x51: {  	[tilespmem:s28], [sflag:$0x2] =	stream.indirect_vreg.gather [hbm4b:s5+s3], $0x80, v4, vm0, $0xb8;
	[tilespmem:$0x19000] =	vst v63  }
0x52: {  	s25 =	simm.s32 $0x6000;
	v3 =	vadd.s32 v1, v3  }
0x53: {  	[tilespmem:s25], [sflag:$0x2] =	stream.indirect_vreg.gather [hbm4b:s7+s3], $0x80, v4, vm0, $0xb8;
	[tilespmem:$0x19000] =	vst v63  }
0x54: {  	s26 =	simm.s32 $0x6800  }
0x55: {  	[tilespmem:s26], [sflag:$0x2] =	stream.indirect_vreg.gather [hbm4b:s8+s3], $0x80, v4, vm0, $0xb8;
	[tilespmem:$0x19000] =	vst v63  }
0x56: {  	s28 =	simm.s32 $0x7000  }
0x57: {  	[tilespmem:s28], [sflag:$0x2] =	stream.indirect_vreg.gather [hbm4b:s1+s3], $0x80, v3, vm0, $0xb8;
	[tilespmem:$0x19000] =	vst v63  }
0x58: {  	_ = 	snop  }
0x59: {  	[tilespmem:s29], [sflag:$0x2] =	stream.indirect_vreg.gather [hbm4b:s5+s3], $0x80, v3, vm0, $0xb8;
	[tilespmem:$0x19000] =	vst v63  }
0x5a: {  	_ = 	snop  }
0x5b: {  	[tilespmem:s30], [sflag:$0x2] =	stream.indirect_vreg.gather [hbm4b:s7+s3], $0x80, v3, vm0, $0xb8;
	[tilespmem:$0x19000] =	vst v63  }
0x5c: {  	_ = 	snop  }
0x5d: {  	[tilespmem:s31], [sflag:$0x2] =	stream.indirect_vreg.gather [hbm4b:s8+s3], $0x80, v3, vm0, $0xb8;
	[tilespmem:$0x19000] =	vst v63  }
0x5e: {  	v3 =	vld [tilespmem:$0x100];
	_ =	sdelay $0x4  }
0x5f: {  	v60 =	vshll.u32 v3, $0x3  }
0x60: {  	v3 =	vand.u32 $0x7, v3;
	v4 =	vand.u32 $0xFFFFFFC0, v60  }
0x61: {  	v3 =	vor.u32 v3, v4  }
0x62: {  	v4 =	vperm.xlane v3, v0;
	_ =	sdelay $0x1  }
0x63: {  	v4 =	vadd.s32 v1, v4;
	_ =	sdelay $0x4  }
0x64: {  	[tilespmem:s0], [sflag:$0x3] =	stream.indirect_vreg.gather [hbm4b:s1+s3], $0x80, v4, vm0, $0xb8;
	[tilespmem:$0x19000] =	vst v63  }
0x65: {  	s25 =	simm.s32 $0x9800;
	v3 =	vperm.xlane v3, v2  }
0x66: {  	[tilespmem:s25], [sflag:$0x3] =	stream.indirect_vreg.gather [hbm4b:s5+s3], $0x80, v4, vm0, $0xb8;
	[tilespmem:$0x19000] =	vst v63  }
0x67: {  	s26 =	simm.s32 $0xA000;
	v3 =	vadd.s32 v1, v3  }
0x68: {  	[tilespmem:s26], [sflag:$0x3] =	stream.indirect_vreg.gather [hbm4b:s7+s3], $0x80, v4, vm0, $0xb8;
	[tilespmem:$0x19000] =	vst v63  }
0x69: {  	s28 =	simm.s32 $0xA800  }
0x6a: {  	[tilespmem:s28], [sflag:$0x3] =	stream.indirect_vreg.gather [hbm4b:s8+s3], $0x80, v4, vm0, $0xb8;
	[tilespmem:$0x19000] =	vst v63  }
0x6b: {  	s25 =	simm.s32 $0xB000  }
0x6c: {  	[tilespmem:s25], [sflag:$0x3] =	stream.indirect_vreg.gather [hbm4b:s1+s3], $0x80, v3, vm0, $0xb8;
	[tilespmem:$0x19000] =	vst v63  }
0x6d: {  	s26 =	simm.s32 $0xB800  }
0x6e: {  	[tilespmem:s26], [sflag:$0x3] =	stream.indirect_vreg.gather [hbm4b:s5+s3], $0x80, v3, vm0, $0xb8;
	[tilespmem:$0x19000] =	vst v63  }
0x6f: {  	s28 =	simm.s32 $0xC000  }
0x70: {  	[tilespmem:s28], [sflag:$0x3] =	stream.indirect_vreg.gather [hbm4b:s7+s3], $0x80, v3, vm0, $0xb8;
	[tilespmem:$0x19000] =	vst v63  }
0x71: {  	s25 =	simm.s32 $0xC800  }
0x72: {  	[tilespmem:s25], [sflag:$0x3] =	stream.indirect_vreg.gather [hbm4b:s8+s3], $0x80, v3, vm0, $0xb8;
	[tilespmem:$0x19000] =	vst v63  }
0x73: {  	v3 =	vld [tilespmem:$0x180];
	_ =	sdelay $0x4  }
0x74: {  	v61 =	vshll.u32 v3, $0x3  }
0x75: {  	v3 =	vand.u32 $0x7, v3;
	v4 =	vand.u32 $0xFFFFFFC0, v61  }
0x76: {  	v3 =	vor.u32 v3, v4  }
0x77: {  	v4 =	vperm.xlane v3, v0;
	_ =	sdelay $0x1  }
0x78: {  	v4 =	vadd.s32 v1, v4;
	_ =	sdelay $0x4  }
0x79: {  	[tilespmem:s4], [sflag:$0x4] =	stream.indirect_vreg.gather [hbm4b:s1+s3], $0x80, v4, vm0, $0xb8;
	[tilespmem:$0x19000] =	vst v63  }
0x7a: {  	s26 =	simm.s32 $0xD800;
	v3 =	vperm.xlane v3, v2  }
0x7b: {  	[tilespmem:s26], [sflag:$0x4] =	stream.indirect_vreg.gather [hbm4b:s5+s3], $0x80, v4, vm0, $0xb8;
	[tilespmem:$0x19000] =	vst v63  }
0x7c: {  	s28 =	simm.s32 $0xE000;
	v3 =	vadd.s32 v1, v3  }
0x7d: {  	[tilespmem:s28], [sflag:$0x4] =	stream.indirect_vreg.gather [hbm4b:s7+s3], $0x80, v4, vm0, $0xb8;
	[tilespmem:$0x19000] =	vst v63  }
0x7e: {  	s25 =	simm.s32 $0xE800  }
0x7f: {  	[tilespmem:s25], [sflag:$0x4] =	stream.indirect_vreg.gather [hbm4b:s8+s3], $0x80, v4, vm0, $0xb8;
	[tilespmem:$0x19000] =	vst v63  }
0x80: {  	s26 =	simm.s32 $0xF000  }
0x81: {  	[tilespmem:s26], [sflag:$0x4] =	stream.indirect_vreg.gather [hbm4b:s1+s3], $0x80, v3, vm0, $0xb8;
	[tilespmem:$0x19000] =	vst v63  }
0x82: {  	s28 =	simm.s32 $0xF800  }
0x83: {  	[tilespmem:s28], [sflag:$0x4] =	stream.indirect_vreg.gather [hbm4b:s5+s3], $0x80, v3, vm0, $0xb8;
	[tilespmem:$0x19000] =	vst v63  }
0x84: {  	s25 =	simm.s32 $0x10000  }
0x85: {  	[tilespmem:s25], [sflag:$0x4] =	stream.indirect_vreg.gather [hbm4b:s7+s3], $0x80, v3, vm0, $0xb8;
	[tilespmem:$0x19000] =	vst v63  }
0x86: {  	s26 =	simm.s32 $0x10800  }
0x87: {  	[tilespmem:s26], [sflag:$0x4] =	stream.indirect_vreg.gather [hbm4b:s8+s3], $0x80, v3, vm0, $0xb8;
	[tilespmem:$0x19000] =	vst v63  }
0x88: {  	v3 =	vld [tilespmem:$0x200];
	_ =	sdelay $0x4  }
0x89: {  	v62 =	vshll.u32 v3, $0x3  }
0x8a: {  	v3 =	vand.u32 $0x7, v3;
	v4 =	vand.u32 $0xFFFFFFC0, v62  }
0x8b: {  	v3 =	vor.u32 v3, v4  }
0x8c: {  	v4 =	vperm.xlane v3, v0;
	_ =	sdelay $0x1  }
0x8d: {  	v4 =	vadd.s32 v1, v4;
	_ =	sdelay $0x4  }
0x8e: {  	[tilespmem:s6], [sflag:$0x5] =	stream.indirect_vreg.gather [hbm4b:s1+s3], $0x80, v4, vm0, $0xb8;
	[tilespmem:$0x19000] =	vst v63  }
0x8f: {  	s28 =	simm.s32 $0x11800;
	v3 =	vperm.xlane v3, v2  }
0x90: {  	[tilespmem:s28], [sflag:$0x5] =	stream.indirect_vreg.gather [hbm4b:s5+s3], $0x80, v4, vm0, $0xb8;
	[tilespmem:$0x19000] =	vst v63  }
0x91: {  	s25 =	simm.s32 $0x12000;
	v3 =	vadd.s32 v1, v3  }
0x92: {  	[tilespmem:s25], [sflag:$0x5] =	stream.indirect_vreg.gather [hbm4b:s7+s3], $0x80, v4, vm0, $0xb8;
	[tilespmem:$0x19000] =	vst v63  }
0x93: {  	s26 =	simm.s32 $0x12800  }
0x94: {  	[tilespmem:s26], [sflag:$0x5] =	stream.indirect_vreg.gather [hbm4b:s8+s3], $0x80, v4, vm0, $0xb8;
	[tilespmem:$0x19000] =	vst v63  }
0x95: {  	s28 =	simm.s32 $0x13000  }
0x96: {  	[tilespmem:s28], [sflag:$0x5] =	stream.indirect_vreg.gather [hbm4b:s1+s3], $0x80, v3, vm0, $0xb8;
	[tilespmem:$0x19000] =	vst v63  }
0x97: {  	s25 =	simm.s32 $0x13800  }
0x98: {  	[tilespmem:s25], [sflag:$0x5] =	stream.indirect_vreg.gather [hbm4b:s5+s3], $0x80, v3, vm0, $0xb8;
	[tilespmem:$0x19000] =	vst v63  }
0x99: {  	s26 =	simm.s32 $0x14000  }
0x9a: {  	[tilespmem:s26], [sflag:$0x5] =	stream.indirect_vreg.gather [hbm4b:s7+s3], $0x80, v3, vm0, $0xb8;
	[tilespmem:$0x19000] =	vst v63  }
0x9b: {  	s28 =	simm.s32 $0x14800  }
0x9c: {  	[tilespmem:s28], [sflag:$0x5] =	stream.indirect_vreg.gather [hbm4b:s8+s3], $0x80, v3, vm0, $0xb8;
	[tilespmem:$0x19000] =	vst v63  }
0x9d: {  	_ =	swait.ge [sflag:s11], $0x4000  }
0x9e: {  	[sflag:s11] =	ssyncset.done $0x0  }
0x9f: {  	s25 =	rddreg [dreg:$0x5];
	[sflag:s11] =	ssyncadd.s32 $0xFFFFC000  }
0xa0: {  	[hbm4b:s25+s3] =	stream.linear.scatter [tilespmem:s15], [sflag:$0x7], $0x4000, $0x38;
	[tilespmem:$0x19000] =	vst v63  }
0xa1: {  	v3 =	vld [tilespmem:$0x280];
	_ =	sdelay $0x4  }
0xa2: {  	v63 =	vshll.u32 v3, $0x3  }
0xa3: {  	v3 =	vand.u32 $0x7, v3;
	v4 =	vand.u32 $0xFFFFFFC0, v63  }
0xa4: {  	v3 =	vor.u32 v3, v4  }
0xa5: {  	v4 =	vperm.xlane v3, v0;
	_ =	sdelay $0x1  }
0xa6: {  	v4 =	vadd.s32 v1, v4;
	_ =	sdelay $0x4  }
0xa7: {  	[tilespmem:s14], [sflag:$0x6] =	stream.indirect_vreg.gather [hbm4b:s1+s3], $0x80, v4, vm0, $0xb8;
	[tilespmem:$0x19000] =	vst v63  }
0xa8: {  	s26 =	simm.s32 $0x15800;
	v3 =	vperm.xlane v3, v2  }
0xa9: {  	[tilespmem:s26], [sflag:$0x6] =	stream.indirect_vreg.gather [hbm4b:s5+s3], $0x80, v4, vm0, $0xb8;
	[tilespmem:$0x19000] =	vst v63  }
0xaa: {  	s28 =	simm.s32 $0x16000;
	v3 =	vadd.s32 v1, v3  }
0xab: {  	[tilespmem:s28], [sflag:$0x6] =	stream.indirect_vreg.gather [hbm4b:s7+s3], $0x80, v4, vm0, $0xb8;
	[tilespmem:$0x19000] =	vst v63  }
0xac: {  	s25 =	simm.s32 $0x16800  }
0xad: {  	[tilespmem:s25], [sflag:$0x6] =	stream.indirect_vreg.gather [hbm4b:s8+s3], $0x80, v4, vm0, $0xb8;
	[tilespmem:$0x19000] =	vst v63  }
0xae: {  	s26 =	simm.s32 $0x17000  }
0xaf: {  	[tilespmem:s26], [sflag:$0x6] =	stream.indirect_vreg.gather [hbm4b:s1+s3], $0x80, v3, vm0, $0xb8;
	[tilespmem:$0x19000] =	vst v63  }
0xb0: {  	s28 =	simm.s32 $0x17800  }
0xb1: {  	[tilespmem:s28], [sflag:$0x6] =	stream.indirect_vreg.gather [hbm4b:s5+s3], $0x80, v3, vm0, $0xb8;
	[tilespmem:$0x19000] =	vst v63  }
0xb2: {  	s25 =	simm.s32 $0x18000  }
0xb3: {  	[tilespmem:s25], [sflag:$0x6] =	stream.indirect_vreg.gather [hbm4b:s7+s3], $0x80, v3, vm0, $0xb8;
	[tilespmem:$0x19000] =	vst v63  }
0xb4: {  	s26 =	simm.s32 $0x18800  }
0xb5: {  	[tilespmem:s26], [sflag:$0x6] =	stream.indirect_vreg.gather [hbm4b:s8+s3], $0x80, v3, vm0, $0xb8;
	[tilespmem:$0x19000] =	vst v63  }
.Ltmp2:
0xb6: {  	_ = 	snop;
	(pc) =	sbr.rel .LBB2_2-.Ltmp2, $4  }
0xb7: {  	_ =	swait.ge [sflag:s9], $0x4000  }
0xb8: {  	s24 =	simm.s32 $0x580;
	[sflag:s9] =	ssyncset.done $0x0  }
0xb9: {  	s25 =	simm.s32 $0x0;
	s28 =	rddreg [dreg:$0x6];
	[sflag:s9] =	ssyncadd.s32 $0xFFFFC000  }
0xba: {  	[hbm4b:s28+s3] =	stream.linear.scatter [tilespmem:s23], [sflag:$0x8], $0x4000, $0x38;
	[tilespmem:$0x19000] =	vst v63  }
.LBB2_7:
0xbb: {  	_ =	swait.ge [sflag:s11], $0x4000  }
0xbc: {  	[sflag:s11] =	ssyncset.done $0x0  }
0xbd: {  	s28 =	rddreg [dreg:$0x7];
	[sflag:s11] =	ssyncadd.s32 $0xFFFFC000  }
0xbe: {  	[hbm4b:s28+s3] =	stream.linear.scatter [tilespmem:s15], [sflag:$0x7], $0x4000, $0x38;
	[tilespmem:$0x19000] =	vst v63  }
.LBB2_8:
0xbf: {  	s25 =	sadd.s32 $0x3000, s25  }
0xc0: {  	p0 =	sne.s32 s25, $0xF000  }
.Ltmp3:
0xc1: {  	_ = 	snop;
	(pc) =	sbr.rel @!p0 .LBB2_9-.Ltmp3, $4  }
0xc2: {  	_ =	swait.ge [sflag:s9], $0x4000  }
0xc3: {  	[sflag:s9] =	ssyncset.done $0x0  }
0xc4: {  	s26 =	sadd.s32 $0x3800, s26;
	s24 =	sadd.s32 $0x300, s24;
	[sflag:s9] =	ssyncadd.s32 $0xFFFFC000  }
0xc5: {  	[hbm4b:s26+s3] =	stream.linear.scatter [tilespmem:s23], [sflag:$0x8], $0x4000, $0x38;
	[tilespmem:$0x19000] =	vst v63  }
.LBB2_2:
0xc6: {  	_ =	swait.ge [sflag:s2], $0x4000  }
0xc7: {  	[sflag:s2] =	ssyncset.done $0x0  }
0xc8: {  	[sflag:s2] =	ssyncadd.s32 $0xFFFFC000  }
0xc9: {  	v3 =	vld [tilespmem:s24+$0xFFFFFD80];
	_ =	sdelay $0x4  }
0xca: {  	v4 =	vshll.u32 v3, $0x3  }
0xcb: {  	v3 =	vand.u32 $0x7, v3;
	v4 =	vand.u32 $0xFFFFFFC0, v4  }
0xcc: {  	v3 =	vor.u32 v3, v4  }
0xcd: {  	v4 =	vperm.xlane v3, v0;
	_ =	sdelay $0x1  }
0xce: {  	v4 =	vadd.s32 v1, v4;
	_ =	sdelay $0x4  }
0xcf: {  	[tilespmem:s15], [sflag:$0x1] =	stream.indirect_vreg.gather [hbm4b:s1+s3], $0x80, v4, vm0, $0xb8;
	[tilespmem:$0x19000] =	vst v63  }
0xd0: {  	s26 =	simm.s32 $0x1800;
	v3 =	vperm.xlane v3, v2  }
0xd1: {  	[tilespmem:s26], [sflag:$0x1] =	stream.indirect_vreg.gather [hbm4b:s5+s3], $0x80, v4, vm0, $0xb8;
	[tilespmem:$0x19000] =	vst v63  }
0xd2: {  	s28 =	simm.s32 $0x2000;
	v3 =	vadd.s32 v1, v3  }
0xd3: {  	[tilespmem:s28], [sflag:$0x1] =	stream.indirect_vreg.gather [hbm4b:s7+s3], $0x80, v4, vm0, $0xb8;
	[tilespmem:$0x19000] =	vst v63  }
0xd4: {  	s28 =	simm.s32 $0x2800  }
0xd5: {  	[tilespmem:s28], [sflag:$0x1] =	stream.indirect_vreg.gather [hbm4b:s8+s3], $0x80, v4, vm0, $0xb8;
	[tilespmem:$0x19000] =	vst v63  }
0xd6: {  	s28 =	simm.s32 $0x3000  }
0xd7: {  	[tilespmem:s28], [sflag:$0x1] =	stream.indirect_vreg.gather [hbm4b:s1+s3], $0x80, v3, vm0, $0xb8;
	[tilespmem:$0x19000] =	vst v63  }
0xd8: {  	s28 =	simm.s32 $0x3800  }
0xd9: {  	[tilespmem:s28], [sflag:$0x1] =	stream.indirect_vreg.gather [hbm4b:s5+s3], $0x80, v3, vm0, $0xb8;
	[tilespmem:$0x19000] =	vst v63  }
0xda: {  	s28 =	simm.s32 $0x4000  }
0xdb: {  	[tilespmem:s28], [sflag:$0x1] =	stream.indirect_vreg.gather [hbm4b:s7+s3], $0x80, v3, vm0, $0xb8;
	[tilespmem:$0x19000] =	vst v63  }
0xdc: {  	s28 =	simm.s32 $0x4800  }
0xdd: {  	[tilespmem:s28], [sflag:$0x1] =	stream.indirect_vreg.gather [hbm4b:s8+s3], $0x80, v3, vm0, $0xb8;
	[tilespmem:$0x19000] =	vst v63  }
0xde: {  	_ =	swait.ge [sflag:s10], $0x4000  }
0xdf: {  	s26 =	sadd.s32 s25, s13;
	[sflag:s10] =	ssyncset.done $0x0  }
0xe0: {  	s28 =	sadd.s32 $0x1000, s26;
	[sflag:s10] =	ssyncadd.s32 $0xFFFFC000  }
0xe1: {  	[hbm4b:s28+s3] =	stream.linear.scatter [tilespmem:s0], [sflag:$0x9], $0x4000, $0x38;
	[tilespmem:$0x19000] =	vst v63  }
0xe2: {  	_ =	swait.ge [sflag:s12], $0x4000  }
0xe3: {  	[sflag:s12] =	ssyncset.done $0x0  }
0xe4: {  	[sflag:s12] =	ssyncadd.s32 $0xFFFFC000  }
0xe5: {  	v3 =	vld [tilespmem:s24+$0xFFFFFE00];
	_ =	sdelay $0x4  }
0xe6: {  	v63 =	vshll.u32 v3, $0x3  }
0xe7: {  	v3 =	vand.u32 $0x7, v3;
	v4 =	vand.u32 $0xFFFFFFC0, v63  }
0xe8: {  	v3 =	vor.u32 v3, v4  }
0xe9: {  	v4 =	vperm.xlane v3, v0;
	_ =	sdelay $0x1  }
0xea: {  	v4 =	vadd.s32 v1, v4;
	_ =	sdelay $0x4  }
0xeb: {  	[tilespmem:s23], [sflag:$0x2] =	stream.indirect_vreg.gather [hbm4b:s1+s3], $0x80, v4, vm0, $0xb8;
	[tilespmem:$0x19000] =	vst v63  }
0xec: {  	s28 =	simm.s32 $0x5800;
	v3 =	vperm.xlane v3, v2  }
0xed: {  	[tilespmem:s28], [sflag:$0x2] =	stream.indirect_vreg.gather [hbm4b:s5+s3], $0x80, v4, vm0, $0xb8;
	[tilespmem:$0x19000] =	vst v63  }
0xee: {  	v3 =	vadd.s32 v1, v3;
	s28 =	simm.s32 $0x6000  }
0xef: {  	[tilespmem:s28], [sflag:$0x2] =	stream.indirect_vreg.gather [hbm4b:s7+s3], $0x80, v4, vm0, $0xb8;
	[tilespmem:$0x19000] =	vst v63  }
0xf0: {  	s28 =	simm.s32 $0x6800  }
0xf1: {  	[tilespmem:s28], [sflag:$0x2] =	stream.indirect_vreg.gather [hbm4b:s8+s3], $0x80, v4, vm0, $0xb8;
	[tilespmem:$0x19000] =	vst v63  }
0xf2: {  	s28 =	simm.s32 $0x7000  }
0xf3: {  	[tilespmem:s28], [sflag:$0x2] =	stream.indirect_vreg.gather [hbm4b:s1+s3], $0x80, v3, vm0, $0xb8;
	[tilespmem:$0x19000] =	vst v63  }
0xf4: {  	_ = 	snop  }
0xf5: {  	[tilespmem:s29], [sflag:$0x2] =	stream.indirect_vreg.gather [hbm4b:s5+s3], $0x80, v3, vm0, $0xb8;
	[tilespmem:$0x19000] =	vst v63  }
0xf6: {  	_ = 	snop  }
0xf7: {  	[tilespmem:s30], [sflag:$0x2] =	stream.indirect_vreg.gather [hbm4b:s7+s3], $0x80, v3, vm0, $0xb8;
	[tilespmem:$0x19000] =	vst v63  }
0xf8: {  	p0 =	seq.s32 s25, $0xC000  }
0xf9: {  	[tilespmem:s31], [sflag:$0x2] =	stream.indirect_vreg.gather [hbm4b:s8+s3], $0x80, v3, vm0, $0xb8;
	[tilespmem:$0x19000] =	vst v63  }
.Ltmp4:
0xfa: {  	_ = 	snop;
	(pc) =	sbr.rel @!p0 .LBB2_3-.Ltmp4, $4  }
0xfb: {  	_ =	swait.ge [sflag:s16], $0x4000  }
0xfc: {  	[sflag:s16] =	ssyncset.done $0x0  }
0xfd: {  	s28 =	sadd.s32 $0x1800, s26;
	[sflag:s16] =	ssyncadd.s32 $0xFFFFC000  }
0xfe: {  	[hbm4b:s28+s3] =	stream.linear.scatter [tilespmem:s4], [sflag:$0xA], $0x4000, $0x38;
	[tilespmem:$0x19000] =	vst v63  }
.Ltmp5:
0xff: {  	(pc) =	sbr.rel .LBB2_5-.Ltmp5, $4  }
0x100: {  	_ =	swait.ge [sflag:s17], $0x4000  }
0x101: {  	[sflag:s17] =	ssyncset.done $0x0  }
0x102: {  	s28 =	rddreg [dreg:$0x9];
	[sflag:s17] =	ssyncadd.s32 $0xFFFFC000  }
0x103: {  	[hbm4b:s28+s3] =	stream.linear.scatter [tilespmem:s6], [sflag:$0xB], $0x4000, $0x38;
	[tilespmem:$0x19000] =	vst v63  }
.LBB2_3:
0x104: {  	_ =	swait.ge [sflag:s19], $0x4000  }
0x105: {  	[sflag:s19] =	ssyncset.done $0x0  }
0x106: {  	[sflag:s19] =	ssyncadd.s32 $0xFFFFC000  }
0x107: {  	v3 =	vld [tilespmem:s24+$0xFFFFFE80];
	_ =	sdelay $0x4  }
0x108: {  	v4 =	vshll.u32 v3, $0x3  }
0x109: {  	v3 =	vand.u32 $0x7, v3;
	v4 =	vand.u32 $0xFFFFFFC0, v4  }
0x10a: {  	v3 =	vor.u32 v3, v4  }
0x10b: {  	v4 =	vperm.xlane v3, v0;
	_ =	sdelay $0x1  }
0x10c: {  	v4 =	vadd.s32 v1, v4;
	_ =	sdelay $0x4  }
0x10d: {  	[tilespmem:s0], [sflag:$0x3] =	stream.indirect_vreg.gather [hbm4b:s1+s3], $0x80, v4, vm0, $0xb8;
	[tilespmem:$0x19000] =	vst v63  }
0x10e: {  	s28 =	simm.s32 $0x9800;
	v3 =	vperm.xlane v3, v2  }
0x10f: {  	[tilespmem:s28], [sflag:$0x3] =	stream.indirect_vreg.gather [hbm4b:s5+s3], $0x80, v4, vm0, $0xb8;
	[tilespmem:$0x19000] =	vst v63  }
0x110: {  	v3 =	vadd.s32 v1, v3;
	s28 =	simm.s32 $0xA000  }
0x111: {  	[tilespmem:s28], [sflag:$0x3] =	stream.indirect_vreg.gather [hbm4b:s7+s3], $0x80, v4, vm0, $0xb8;
	[tilespmem:$0x19000] =	vst v63  }
0x112: {  	s28 =	simm.s32 $0xA800  }
0x113: {  	[tilespmem:s28], [sflag:$0x3] =	stream.indirect_vreg.gather [hbm4b:s8+s3], $0x80, v4, vm0, $0xb8;
	[tilespmem:$0x19000] =	vst v63  }
0x114: {  	s28 =	simm.s32 $0xB000  }
0x115: {  	[tilespmem:s28], [sflag:$0x3] =	stream.indirect_vreg.gather [hbm4b:s1+s3], $0x80, v3, vm0, $0xb8;
	[tilespmem:$0x19000] =	vst v63  }
0x116: {  	s28 =	simm.s32 $0xB800  }
0x117: {  	[tilespmem:s28], [sflag:$0x3] =	stream.indirect_vreg.gather [hbm4b:s5+s3], $0x80, v3, vm0, $0xb8;
	[tilespmem:$0x19000] =	vst v63  }
0x118: {  	s28 =	simm.s32 $0xC000  }
0x119: {  	[tilespmem:s28], [sflag:$0x3] =	stream.indirect_vreg.gather [hbm4b:s7+s3], $0x80, v3, vm0, $0xb8;
	[tilespmem:$0x19000] =	vst v63  }
0x11a: {  	s28 =	simm.s32 $0xC800  }
0x11b: {  	[tilespmem:s28], [sflag:$0x3] =	stream.indirect_vreg.gather [hbm4b:s8+s3], $0x80, v3, vm0, $0xb8;
	[tilespmem:$0x19000] =	vst v63  }
0x11c: {  	_ =	swait.ge [sflag:s17], $0x4000  }
0x11d: {  	[sflag:s17] =	ssyncset.done $0x0  }
0x11e: {  	s28 =	sadd.s32 $0x2000, s26;
	[sflag:s17] =	ssyncadd.s32 $0xFFFFC000  }
0x11f: {  	[hbm4b:s28+s3] =	stream.linear.scatter [tilespmem:s6], [sflag:$0xB], $0x4000, $0x38;
	[tilespmem:$0x19000] =	vst v63  }
0x120: {  	_ =	swait.ge [sflag:s20], $0x4000  }
0x121: {  	[sflag:s20] =	ssyncset.done $0x0  }
0x122: {  	[sflag:s20] =	ssyncadd.s32 $0xFFFFC000  }
0x123: {  	v3 =	vld [tilespmem:s24+$0xFFFFFF00];
	_ =	sdelay $0x4  }
0x124: {  	v63 =	vshll.u32 v3, $0x3  }
0x125: {  	v3 =	vand.u32 $0x7, v3;
	v4 =	vand.u32 $0xFFFFFFC0, v63  }
0x126: {  	v3 =	vor.u32 v3, v4  }
0x127: {  	v4 =	vperm.xlane v3, v0;
	_ =	sdelay $0x1  }
0x128: {  	v4 =	vadd.s32 v1, v4;
	_ =	sdelay $0x4  }
0x129: {  	[tilespmem:s4], [sflag:$0x4] =	stream.indirect_vreg.gather [hbm4b:s1+s3], $0x80, v4, vm0, $0xb8;
	[tilespmem:$0x19000] =	vst v63  }
0x12a: {  	s28 =	simm.s32 $0xD800;
	v3 =	vperm.xlane v3, v2  }
0x12b: {  	[tilespmem:s28], [sflag:$0x4] =	stream.indirect_vreg.gather [hbm4b:s5+s3], $0x80, v4, vm0, $0xb8;
	[tilespmem:$0x19000] =	vst v63  }
0x12c: {  	v3 =	vadd.s32 v1, v3;
	s28 =	simm.s32 $0xE000  }
0x12d: {  	[tilespmem:s28], [sflag:$0x4] =	stream.indirect_vreg.gather [hbm4b:s7+s3], $0x80, v4, vm0, $0xb8;
	[tilespmem:$0x19000] =	vst v63  }
0x12e: {  	s28 =	simm.s32 $0xE800  }
0x12f: {  	[tilespmem:s28], [sflag:$0x4] =	stream.indirect_vreg.gather [hbm4b:s8+s3], $0x80, v4, vm0, $0xb8;
	[tilespmem:$0x19000] =	vst v63  }
0x130: {  	s28 =	simm.s32 $0xF000  }
0x131: {  	[tilespmem:s28], [sflag:$0x4] =	stream.indirect_vreg.gather [hbm4b:s1+s3], $0x80, v3, vm0, $0xb8;
	[tilespmem:$0x19000] =	vst v63  }
0x132: {  	s28 =	simm.s32 $0xF800  }
0x133: {  	[tilespmem:s28], [sflag:$0x4] =	stream.indirect_vreg.gather [hbm4b:s5+s3], $0x80, v3, vm0, $0xb8;
	[tilespmem:$0x19000] =	vst v63  }
0x134: {  	s28 =	simm.s32 $0x10000  }
0x135: {  	[tilespmem:s28], [sflag:$0x4] =	stream.indirect_vreg.gather [hbm4b:s7+s3], $0x80, v3, vm0, $0xb8;
	[tilespmem:$0x19000] =	vst v63  }
0x136: {  	s28 =	simm.s32 $0x10800  }
0x137: {  	[tilespmem:s28], [sflag:$0x4] =	stream.indirect_vreg.gather [hbm4b:s8+s3], $0x80, v3, vm0, $0xb8;
	[tilespmem:$0x19000] =	vst v63  }
.LBB2_5:
.Ltmp6:
0x138: {  	(pc) =	sbr.rel @p0 .LBB2_7-.Ltmp6, $4  }
0x139: {  	_ =	swait.ge [sflag:s18], $0x4000  }
0x13a: {  	[sflag:s18] =	ssyncset.done $0x0  }
0x13b: {  	s28 =	sadd.s32 $0x2800, s26;
	[sflag:s18] =	ssyncadd.s32 $0xFFFFC000  }
0x13c: {  	[hbm4b:s28+s3] =	stream.linear.scatter [tilespmem:s14], [sflag:$0xC], $0x4000, $0x38;
	[tilespmem:$0x19000] =	vst v63  }
0x13d: {  	_ =	swait.ge [sflag:s21], $0x4000  }
0x13e: {  	[sflag:s21] =	ssyncset.done $0x0  }
0x13f: {  	[sflag:s21] =	ssyncadd.s32 $0xFFFFC000  }
0x140: {  	v3 =	vld [tilespmem:s24+$0xFFFFFF80];
	_ =	sdelay $0x4  }
0x141: {  	v4 =	vshll.u32 v3, $0x3  }
0x142: {  	v3 =	vand.u32 $0x7, v3;
	v4 =	vand.u32 $0xFFFFFFC0, v4  }
0x143: {  	v3 =	vor.u32 v3, v4  }
0x144: {  	v4 =	vperm.xlane v3, v0;
	_ =	sdelay $0x1  }
0x145: {  	v4 =	vadd.s32 v1, v4;
	_ =	sdelay $0x4  }
0x146: {  	[tilespmem:s6], [sflag:$0x5] =	stream.indirect_vreg.gather [hbm4b:s1+s3], $0x80, v4, vm0, $0xb8;
	[tilespmem:$0x19000] =	vst v63  }
0x147: {  	s28 =	simm.s32 $0x11800;
	v3 =	vperm.xlane v3, v2  }
0x148: {  	[tilespmem:s28], [sflag:$0x5] =	stream.indirect_vreg.gather [hbm4b:s5+s3], $0x80, v4, vm0, $0xb8;
	[tilespmem:$0x19000] =	vst v63  }
0x149: {  	v3 =	vadd.s32 v1, v3;
	s28 =	simm.s32 $0x12000  }
0x14a: {  	[tilespmem:s28], [sflag:$0x5] =	stream.indirect_vreg.gather [hbm4b:s7+s3], $0x80, v4, vm0, $0xb8;
	[tilespmem:$0x19000] =	vst v63  }
0x14b: {  	s28 =	simm.s32 $0x12800  }
0x14c: {  	[tilespmem:s28], [sflag:$0x5] =	stream.indirect_vreg.gather [hbm4b:s8+s3], $0x80, v4, vm0, $0xb8;
	[tilespmem:$0x19000] =	vst v63  }
0x14d: {  	s28 =	simm.s32 $0x13000  }
0x14e: {  	[tilespmem:s28], [sflag:$0x5] =	stream.indirect_vreg.gather [hbm4b:s1+s3], $0x80, v3, vm0, $0xb8;
	[tilespmem:$0x19000] =	vst v63  }
0x14f: {  	s28 =	simm.s32 $0x13800  }
0x150: {  	[tilespmem:s28], [sflag:$0x5] =	stream.indirect_vreg.gather [hbm4b:s5+s3], $0x80, v3, vm0, $0xb8;
	[tilespmem:$0x19000] =	vst v63  }
0x151: {  	s28 =	simm.s32 $0x14000  }
0x152: {  	[tilespmem:s28], [sflag:$0x5] =	stream.indirect_vreg.gather [hbm4b:s7+s3], $0x80, v3, vm0, $0xb8;
	[tilespmem:$0x19000] =	vst v63  }
0x153: {  	s28 =	simm.s32 $0x14800  }
0x154: {  	[tilespmem:s28], [sflag:$0x5] =	stream.indirect_vreg.gather [hbm4b:s8+s3], $0x80, v3, vm0, $0xb8;
	[tilespmem:$0x19000] =	vst v63  }
0x155: {  	_ =	swait.ge [sflag:s11], $0x4000  }
0x156: {  	[sflag:s11] =	ssyncset.done $0x0  }
0x157: {  	s28 =	sadd.s32 $0x3000, s26;
	[sflag:s11] =	ssyncadd.s32 $0xFFFFC000  }
0x158: {  	[hbm4b:s28+s3] =	stream.linear.scatter [tilespmem:s15], [sflag:$0x7], $0x4000, $0x38;
	[tilespmem:$0x19000] =	vst v63  }
0x159: {  	_ =	swait.ge [sflag:s22], $0x4000  }
0x15a: {  	[sflag:s22] =	ssyncset.done $0x0  }
0x15b: {  	[sflag:s22] =	ssyncadd.s32 $0xFFFFC000  }
0x15c: {  	v3 =	vld [tilespmem:s24+$0x0];
	_ =	sdelay $0x4  }
0x15d: {  	v63 =	vshll.u32 v3, $0x3  }
0x15e: {  	v3 =	vand.u32 $0x7, v3;
	v4 =	vand.u32 $0xFFFFFFC0, v63  }
0x15f: {  	v3 =	vor.u32 v3, v4  }
0x160: {  	v4 =	vperm.xlane v3, v0;
	_ =	sdelay $0x1  }
0x161: {  	v4 =	vadd.s32 v1, v4;
	_ =	sdelay $0x4  }
0x162: {  	[tilespmem:s14], [sflag:$0x6] =	stream.indirect_vreg.gather [hbm4b:s1+s3], $0x80, v4, vm0, $0xb8;
	[tilespmem:$0x19000] =	vst v63  }
0x163: {  	s28 =	simm.s32 $0x15800;
	v3 =	vperm.xlane v3, v2  }
0x164: {  	[tilespmem:s28], [sflag:$0x6] =	stream.indirect_vreg.gather [hbm4b:s5+s3], $0x80, v4, vm0, $0xb8;
	[tilespmem:$0x19000] =	vst v63  }
0x165: {  	v3 =	vadd.s32 v1, v3;
	s28 =	simm.s32 $0x16000  }
0x166: {  	[tilespmem:s28], [sflag:$0x6] =	stream.indirect_vreg.gather [hbm4b:s7+s3], $0x80, v4, vm0, $0xb8;
	[tilespmem:$0x19000] =	vst v63  }
0x167: {  	s28 =	simm.s32 $0x16800  }
0x168: {  	[tilespmem:s28], [sflag:$0x6] =	stream.indirect_vreg.gather [hbm4b:s8+s3], $0x80, v4, vm0, $0xb8;
	[tilespmem:$0x19000] =	vst v63  }
0x169: {  	s28 =	simm.s32 $0x17000  }
0x16a: {  	[tilespmem:s28], [sflag:$0x6] =	stream.indirect_vreg.gather [hbm4b:s1+s3], $0x80, v3, vm0, $0xb8;
	[tilespmem:$0x19000] =	vst v63  }
0x16b: {  	s28 =	simm.s32 $0x17800  }
0x16c: {  	[tilespmem:s28], [sflag:$0x6] =	stream.indirect_vreg.gather [hbm4b:s5+s3], $0x80, v3, vm0, $0xb8;
	[tilespmem:$0x19000] =	vst v63  }
.Ltmp7:
0x16d: {  	_ = 	snop;
	(pc) =	sbr.rel .LBB2_8-.Ltmp7, $4  }
0x16e: {  	s28 =	simm.s32 $0x18000  }
0x16f: {  	[tilespmem:s28], [sflag:$0x6] =	stream.indirect_vreg.gather [hbm4b:s7+s3], $0x80, v3, vm0, $0xb8;
	[tilespmem:$0x19000] =	vst v63  }
0x170: {  	s28 =	simm.s32 $0x18800  }
0x171: {  	[tilespmem:s28], [sflag:$0x6] =	stream.indirect_vreg.gather [hbm4b:s8+s3], $0x80, v3, vm0, $0xb8;
	[tilespmem:$0x19000] =	vst v63  }
.LBB2_10:
0x172: {  	_ =	sfence.sel $0x180000  }
0x173: {  	[bflag:$0x0] =	sbarrier.arrive $0xFFFF  }
0x174: {  	_ =	strace $0x90000047  }
0x175: {  	s0 =	stileid.u32;
	[bflag:$0x2] =	sbarrier.arrive $0xFFFF  }
0x176: {  	p0 =	sne.s32 s0, $0x0;
	s0 =	rddreg [dreg:$0x3]  }
0x177: {  	s0 =	sadd.s32 @!p0 $0x100000, s0  }
0x178: {  	[sflag:s0] =	ssyncadd.tile.s32 @!p0 $0x1;
	_ =	shalt  }
.Lfunc_end2:
_tile_overlayer_lowered:
.L_overlay_start_2:
0x179: {  	(tag) =	ssettag $0x2  }
0x17a: {  	s0 =	rddreg [dreg:$0x0];
	s2 =	stileid.u32  }
0x17b: {  	s1 =	rddreg [dreg:$0x1];
	p0 =	sne.s32 s2, $0x0  }
0x17c: {  	s3 =	rddreg [dreg:$0x2];
	[bflag:$0x3] =	sbarrier.arrive $0xFFFF;
	s2 =	simm.s32 @!p0 $0x1C0D  }
0x17d: {  	[timem:s3], [sflag:s2] =	dma.local @!p0 [hbm:s0], s1  }
0x17e: {  	s0 =	simm.s32 @!p0 $0xD  }
0x17f: {  	_ =	swait.ge @!p0 [sflag:s0], s1  }
0x180: {  	s1 =	ssub.s32 @!p0 $0x0, s1;
	[sflag:s0] =	ssyncset.done @!p0 $0x0  }
0x181: {  	[sflag:s0] =	ssyncadd.s32 @!p0 s1  }
0x182: {  	[bflag:$0x3] =	sbarrier.arrive $0xFFFF  }
0x183: {  	_ =	shalt  }

</sc_bundles>
